<compile_context>
chip_gen: v7x
topology: tpu7x:2x2x1
jax: 0.10.2.dev20260603
libtpu: 0.0.44.dev20260713+nightly
codegen_flags: <defaults>
</compile_context>

<pallas_src>
import jax
import jax.numpy as jnp
from jax import lax
from jax.experimental import pallas as pl
from jax.experimental.pallas import tpu as pltpu
from jax.experimental.pallas import tpu_sc as plsc

VOCAB = 100000
EMBED_DIM = 128
MAX_SEQ = 4096
BATCH = 4
SEQ = 4096

_INFO = plsc.get_sparse_core_info()
NC = _INFO.num_cores
NS = _INFO.num_subcores
L = _INFO.num_lanes
NW = NC * NS
SPW = SEQ // NW
LANESETS = EMBED_DIM // L


NCH = 2
CW = SPW // NCH
NCHUNK = BATCH * NCH


def _body(ids_hbm, table_hbm, pos_hbm, out_hbm, idx_v, pos_v, tok_v,
          isem, psem, osem, *gsems):
    wid = lax.axis_index("s") * NC + lax.axis_index("c")
    s0 = wid * SPW

    idx_cp = pltpu.async_copy(ids_hbm.at[:, pl.ds(s0, SPW)], idx_v, isem)
    pos_cp = pltpu.async_copy(pos_hbm.at[pl.ds(s0, SPW)], pos_v, psem)
    idx_cp.wait()

    gcps = [
        pltpu.async_copy(
            table_hbm.at[idx_v.at[0, pl.ds(0, CW)]],
            tok_v.at[pl.ds(0, CW)],
            gsems[0],
        )
    ]
    pos_cp.wait()

    for c in range(1, NCHUNK):
        p0 = (c % NCH) * CW

        @plsc.parallel_loop(0, CW, unroll=2)
        def _fill(r, _c=c, _p0=p0):
            for l in range(LANESETS):
                sl = pl.ds(l * L, L)
                tok_v[_c * CW + r, sl] = pos_v[_p0 + r, sl]

        gcps.append(
            pltpu.async_copy(
                table_hbm.at[idx_v.at[c // NCH, pl.ds(p0, CW)]],
                tok_v.at[pl.ds(c * CW, CW)],
                gsems[c],
                add=True,
            )
        )

    ocps = []
    for c in range(NCHUNK):
        gcps[c].wait()
        if c == 0:
            @plsc.parallel_loop(0, CW, unroll=2)
            def _add0(r):
                for l in range(LANESETS):
                    sl = pl.ds(l * L, L)
                    plsc.addupdate(tok_v.at[r, sl], pos_v[r, sl])

        ocps.append(
            pltpu.async_copy(
                tok_v.at[pl.ds(c * CW, CW)],
                out_hbm.at[c // NCH, pl.ds(s0 + (c % NCH) * CW, CW)],
                osem,
            )
        )
    for c in ocps:
        c.wait()


_emb = pl.kernel(
    _body,
    out_type=jax.ShapeDtypeStruct((BATCH, SEQ, EMBED_DIM), jnp.float32),
    mesh=plsc.VectorSubcoreMesh(core_axis_name="c", subcore_axis_name="s"),
    compiler_params=pltpu.CompilerParams(
        skip_device_barrier=True,
        disable_bounds_checks=True,
        disable_semaphore_checks=True,
    ),
    scratch_types=[
        pltpu.VMEM((BATCH, SPW), jnp.int32),
        pltpu.VMEM((SPW, EMBED_DIM), jnp.float32),
        pltpu.VMEM((BATCH * SPW, EMBED_DIM), jnp.float32),
    ] + [pltpu.SemaphoreType.DMA] * (3 + NCHUNK),
)


@jax.jit
def kernel(token_ids, token_table, pos_table):
    return _emb(token_ids.astype(jnp.int32), token_table, pos_table)

# --- scband reference (transcript-rebuilt; emitter-appended) ---
"""Pipeline reference for scband-embedding-layer-17746804867134 (READ-ONLY COPY).

The authoritative reference and input builder live on the scoring server;
editing this copy changes nothing except your own understanding.
"""

import jax, jax.numpy as jnp
import numpy as np

VOCAB = 100000
EMBED_DIM = 128
MAX_SEQ = 4096
BATCH = 4
SEQ = 4096


def setup_inputs(seed: int = 0) -> dict:
    key = jax.random.key(seed)
    k1, k2, k3 = jax.random.split(key, 3)
    token_ids = jax.random.randint(k1, (BATCH, SEQ), 0, VOCAB, dtype=jnp.int32).astype(jnp.int64) if False else jax.random.randint(k1, (BATCH, SEQ), 0, VOCAB)
    token_table = jax.random.normal(k2, (VOCAB, EMBED_DIM), dtype=jnp.float32)
    pos_table = jax.random.normal(k3, (MAX_SEQ, EMBED_DIM), dtype=jnp.float32)
    return {"token_ids": token_ids, "token_table": token_table, "pos_table": pos_table}


def reference(token_ids, token_table, pos_table):
    # TokenEmbedding: gather rows from the token embedding table
    token_emb = jnp.take(token_table, token_ids, axis=0)  # (B, S, D)
    # PositionalEmbedding (learnable): gather positions 0..seq_len-1
    seq_len = token_ids.shape[1]
    pos_ids = jnp.arange(seq_len)
    pos_emb = jnp.take(pos_table, pos_ids, axis=0)[None, :, :]  # (1, S, D)
    out = token_emb + pos_emb
    # Dropout is identity in eval / p=0.0
    return out

if __name__ == "__main__":
    import jax
    _d = setup_inputs()
    print(jax.jit(kernel)(*tuple(_d.values())))

</pallas_src>

<mosaic_0001>
#map = affine_map<(d0, d1) -> (0, 0)>
#map1 = affine_map<(d0, d1) -> (0, 0, 0)>
module attributes {stable_mosaic.version = 14 : i64} {
  func.func @_body(%arg0: i32, %arg1: i32, %arg2: memref<4x4096xi32, #tpu.memory_space<hbm>>, %arg3: memref<100000x128xf32, #tpu.memory_space<hbm>>, %arg4: memref<4096x128xf32, #tpu.memory_space<hbm>>, %arg5: memref<4x4096x128xf32, #tpu.memory_space<hbm>>, %arg6: memref<4x128xi32, #tpu.memory_space<vmem>>, %arg7: memref<128x128xf32, #tpu.memory_space<vmem>>, %arg8: memref<512x128xf32, #tpu.memory_space<vmem>>, %arg9: memref<!tpu.dma_semaphore, #tpu.memory_space<semaphore_mem>>, %arg10: memref<!tpu.dma_semaphore, #tpu.memory_space<semaphore_mem>>, %arg11: memref<!tpu.dma_semaphore, #tpu.memory_space<semaphore_mem>>, %arg12: memref<!tpu.dma_semaphore, #tpu.memory_space<semaphore_mem>>, %arg13: memref<!tpu.dma_semaphore, #tpu.memory_space<semaphore_mem>>, %arg14: memref<!tpu.dma_semaphore, #tpu.memory_space<semaphore_mem>>, %arg15: memref<!tpu.dma_semaphore, #tpu.memory_space<semaphore_mem>>, %arg16: memref<!tpu.dma_semaphore, #tpu.memory_space<semaphore_mem>>, %arg17: memref<!tpu.dma_semaphore, #tpu.memory_space<semaphore_mem>>, %arg18: memref<!tpu.dma_semaphore, #tpu.memory_space<semaphore_mem>>, %arg19: memref<!tpu.dma_semaphore, #tpu.memory_space<semaphore_mem>>) attributes {dimension_semantics = [#tpu.dimension_semantics<core_parallel>, #tpu.dimension_semantics<subcore_parallel>], iteration_bounds = array<i64: 2, 16>, scalar_prefetch = 0 : i64, scratch_operands = 14 : i64, tpu.core_type = #tpu.core_type<sc_vector_subcore>, window_params = [{transform_indices = #map}, {transform_indices = #map}, {transform_indices = #map}, {transform_indices = #map1}]} {
    %mul3A = arith.constant 2 : i32
    %mul3A_0 = arith.muli %arg1, %mul3A : i32
    %add3A = arith.addi %mul3A_0, %arg0 : i32
    %mul3A_1 = arith.constant 128 : i32
    %mul3A_2 = arith.muli %add3A, %mul3A_1 : i32
    %dma_start3A = arith.constant 0 : i32
    %dma_start3A_3 = tpu.memref_slice %arg2[%dma_start3A, %mul3A_2] : memref<4x4096xi32, #tpu.memory_space<hbm>> -> memref<4x128xi32, #tpu.memory_space<hbm>>
    %dma_start3A_4 = arith.constant 0 : i32
    %dma_start3A_5 = tpu.memref_slice %arg2[%dma_start3A_4, %mul3A_2] : memref<4x4096xi32, #tpu.memory_space<hbm>> -> memref<4x128xi32, #tpu.memory_space<hbm>>
    tpu.enqueue_dma source(%dma_start3A_5 : memref<4x128xi32, #tpu.memory_space<hbm>>) target(%arg6 : memref<4x128xi32, #tpu.memory_space<vmem>>) target_semaphore(%arg9 : memref<!tpu.dma_semaphore, #tpu.memory_space<semaphore_mem>>)
    %dma_start3A_6 = arith.constant 0 : i32
    %dma_start3A_7 = tpu.memref_slice %arg4[%mul3A_2, %dma_start3A_6] : memref<4096x128xf32, #tpu.memory_space<hbm>> -> memref<128x128xf32, #tpu.memory_space<hbm>>
    %dma_start3A_8 = arith.constant 0 : i32
    %dma_start3A_9 = tpu.memref_slice %arg4[%mul3A_2, %dma_start3A_8] : memref<4096x128xf32, #tpu.memory_space<hbm>> -> memref<128x128xf32, #tpu.memory_space<hbm>>
    tpu.enqueue_dma source(%dma_start3A_9 : memref<128x128xf32, #tpu.memory_space<hbm>>) target(%arg7 : memref<128x128xf32, #tpu.memory_space<vmem>>) target_semaphore(%arg10 : memref<!tpu.dma_semaphore, #tpu.memory_space<semaphore_mem>>)
    %dma_wait3A = arith.constant 0 : i32
    %dma_wait3A_10 = tpu.memref_slice %arg2[%dma_wait3A, %mul3A_2] : memref<4x4096xi32, #tpu.memory_space<hbm>> -> memref<4x128xi32, #tpu.memory_space<hbm>>
    %dma_wait3A_11 = arith.constant 0 : i32
    %dma_wait3A_12 = tpu.memref_slice %arg2[%dma_wait3A_11, %mul3A_2] : memref<4x4096xi32, #tpu.memory_space<hbm>> -> memref<4x128xi32, #tpu.memory_space<hbm>>
    tpu.wait_dma2 semaphore(%arg9 : memref<!tpu.dma_semaphore, #tpu.memory_space<semaphore_mem>>) src(%dma_wait3A_12 : memref<4x128xi32, #tpu.memory_space<hbm>>) dst(%arg6 : memref<4x128xi32, #tpu.memory_space<vmem>>)
    %dma_start3A_13 = arith.constant 0 : i32
    %dma_start3A_14 = arith.constant 0 : i32
    %dma_start3A_15 = arith.constant 0 : i32
    %dma_start3A_16 = tpu.memref_slice %arg8[%dma_start3A_14, %dma_start3A_15] : memref<512x128xf32, #tpu.memory_space<vmem>> -> memref<64x128xf32, #tpu.memory_space<vmem>>
    %dma_start3A_17 = arith.constant 0 : i32
    %dma_start3A_18 = tpu.memref_slice %arg6[%dma_start3A_13, %dma_start3A_17] : memref<4x128xi32, #tpu.memory_space<vmem>> -> memref<1x64xi32, #tpu.memory_space<vmem>>
    %dma_start3A_19 = tpu.memref_squeeze %dma_start3A_18 : memref<1x64xi32, #tpu.memory_space<vmem>> -> memref<64xi32, #tpu.memory_space<vmem>>
    %dma_start3A_20 = arith.constant 0 : i32
    %dma_start3A_21 = arith.constant 0 : i32
    %dma_start3A_22 = tpu.memref_slice %arg3[%dma_start3A_20, %dma_start3A_21] : memref<100000x128xf32, #tpu.memory_space<hbm>> -> memref<100000x128xf32, #tpu.memory_space<hbm>>
    tpu.enqueue_indirect_dma source(%dma_start3A_22 : memref<100000x128xf32, #tpu.memory_space<hbm>>) target(%dma_start3A_16 : memref<64x128xf32, #tpu.memory_space<vmem>>) offsets(%dma_start3A_19 : memref<64xi32, #tpu.memory_space<vmem>>) semaphore(%arg12 : memref<!tpu.dma_semaphore, #tpu.memory_space<semaphore_mem>>)
    %dma_wait3A_23 = arith.constant 0 : i32
    %dma_wait3A_24 = tpu.memref_slice %arg4[%mul3A_2, %dma_wait3A_23] : memref<4096x128xf32, #tpu.memory_space<hbm>> -> memref<128x128xf32, #tpu.memory_space<hbm>>
    %dma_wait3A_25 = arith.constant 0 : i32
    %dma_wait3A_26 = tpu.memref_slice %arg4[%mul3A_2, %dma_wait3A_25] : memref<4096x128xf32, #tpu.memory_space<hbm>> -> memref<128x128xf32, #tpu.memory_space<hbm>>
    tpu.wait_dma2 semaphore(%arg10 : memref<!tpu.dma_semaphore, #tpu.memory_space<semaphore_mem>>) src(%dma_wait3A_26 : memref<128x128xf32, #tpu.memory_space<hbm>>) dst(%arg7 : memref<128x128xf32, #tpu.memory_space<vmem>>)
    %parallel_loop3A = arith.constant 0 : i32
    %parallel_loop3A_27 = arith.constant 64 : i32
    %parallel_loop3A_28 = arith.constant 1 : i32
    scf.for %parallel_loop3A_424 = %parallel_loop3A to %parallel_loop3A_27 step %parallel_loop3A_28  : i32 {
      %parallel_loop3A_425 = arith.constant 64 : i32
      %parallel_loop3A_426 = arith.addi %parallel_loop3A_425, %parallel_loop3A_424 : i32
      %parallel_loop3A_427 = arith.index_cast %parallel_loop3A_426 : i32 to index
      %parallel_loop3A_428 = arith.constant 0 : index
      %parallel_loop3A_429 = tpu.vector_load %arg7[%parallel_loop3A_427, %parallel_loop3A_428] {strides = array<i32>} : memref<128x128xf32, #tpu.memory_space<vmem>>, vector<1x16xf32>,
      %parallel_loop3A_430 = vector.shape_cast %parallel_loop3A_429 : vector<1x16xf32> to vector<16xf32>
      %parallel_loop3A_431 = arith.constant 64 : i32
      %parallel_loop3A_432 = arith.addi %parallel_loop3A_431, %parallel_loop3A_424 : i32
      %parallel_loop3A_433 = arith.index_cast %parallel_loop3A_432 : i32 to index
      %parallel_loop3A_434 = arith.constant 0 : index
      %parallel_loop3A_435 = tpu.vector_load %arg8[%parallel_loop3A_433, %parallel_loop3A_434] {strides = array<i32>} : memref<512x128xf32, #tpu.memory_space<vmem>>, vector<1x16xf32>,
      %parallel_loop3A_436 = vector.shape_cast %parallel_loop3A_435 : vector<1x16xf32> to vector<16xf32>
      %parallel_loop3A_437 = vector.shape_cast %parallel_loop3A_430 : vector<16xf32> to vector<1x16xf32>
      tpu.vector_store %arg8[%parallel_loop3A_433, %parallel_loop3A_434], %parallel_loop3A_437 {strides = array<i32>} : memref<512x128xf32, #tpu.memory_space<vmem>>, vector<1x16xf32>,
      %parallel_loop3A_438 = arith.constant 64 : i32
      %parallel_loop3A_439 = arith.addi %parallel_loop3A_438, %parallel_loop3A_424 : i32
      %parallel_loop3A_440 = arith.index_cast %parallel_loop3A_439 : i32 to index
      %parallel_loop3A_441 = arith.constant 16 : index
      %parallel_loop3A_442 = tpu.vector_load %arg7[%parallel_loop3A_440, %parallel_loop3A_441] {strides = array<i32>} : memref<128x128xf32, #tpu.memory_space<vmem>>, vector<1x16xf32>,
      %parallel_loop3A_443 = vector.shape_cast %parallel_loop3A_442 : vector<1x16xf32> to vector<16xf32>
      %parallel_loop3A_444 = arith.constant 64 : i32
      %parallel_loop3A_445 = arith.addi %parallel_loop3A_444, %parallel_loop3A_424 : i32
      %parallel_loop3A_446 = arith.index_cast %parallel_loop3A_445 : i32 to index
      %parallel_loop3A_447 = arith.constant 16 : index
      %parallel_loop3A_448 = tpu.vector_load %arg8[%parallel_loop3A_446, %parallel_loop3A_447] {strides = array<i32>} : memref<512x128xf32, #tpu.memory_space<vmem>>, vector<1x16xf32>,
      %parallel_loop3A_449 = vector.shape_cast %parallel_loop3A_448 : vector<1x16xf32> to vector<16xf32>
      %parallel_loop3A_450 = vector.shape_cast %parallel_loop3A_443 : vector<16xf32> to vector<1x16xf32>
      tpu.vector_store %arg8[%parallel_loop3A_446, %parallel_loop3A_447], %parallel_loop3A_450 {strides = array<i32>} : memref<512x128xf32, #tpu.memory_space<vmem>>, vector<1x16xf32>,
      %parallel_loop3A_451 = arith.constant 64 : i32
      %parallel_loop3A_452 = arith.addi %parallel_loop3A_451, %parallel_loop3A_424 : i32
      %parallel_loop3A_453 = arith.index_cast %parallel_loop3A_452 : i32 to index
      %parallel_loop3A_454 = arith.constant 32 : index
      %parallel_loop3A_455 = tpu.vector_load %arg7[%parallel_loop3A_453, %parallel_loop3A_454] {strides = array<i32>} : memref<128x128xf32, #tpu.memory_space<vmem>>, vector<1x16xf32>,
      %parallel_loop3A_456 = vector.shape_cast %parallel_loop3A_455 : vector<1x16xf32> to vector<16xf32>
      %parallel_loop3A_457 = arith.constant 64 : i32
      %parallel_loop3A_458 = arith.addi %parallel_loop3A_457, %parallel_loop3A_424 : i32
      %parallel_loop3A_459 = arith.index_cast %parallel_loop3A_458 : i32 to index
      %parallel_loop3A_460 = arith.constant 32 : index
      %parallel_loop3A_461 = tpu.vector_load %arg8[%parallel_loop3A_459, %parallel_loop3A_460] {strides = array<i32>} : memref<512x128xf32, #tpu.memory_space<vmem>>, vector<1x16xf32>,
      %parallel_loop3A_462 = vector.shape_cast %parallel_loop3A_461 : vector<1x16xf32> to vector<16xf32>
      %parallel_loop3A_463 = vector.shape_cast %parallel_loop3A_456 : vector<16xf32> to vector<1x16xf32>
      tpu.vector_store %arg8[%parallel_loop3A_459, %parallel_loop3A_460], %parallel_loop3A_463 {strides = array<i32>} : memref<512x128xf32, #tpu.memory_space<vmem>>, vector<1x16xf32>,
      %parallel_loop3A_464 = arith.constant 64 : i32
      %parallel_loop3A_465 = arith.addi %parallel_loop3A_464, %parallel_loop3A_424 : i32
      %parallel_loop3A_466 = arith.index_cast %parallel_loop3A_465 : i32 to index
      %parallel_loop3A_467 = arith.constant 48 : index
      %parallel_loop3A_468 = tpu.vector_load %arg7[%parallel_loop3A_466, %parallel_loop3A_467] {strides = array<i32>} : memref<128x128xf32, #tpu.memory_space<vmem>>, vector<1x16xf32>,
      %parallel_loop3A_469 = vector.shape_cast %parallel_loop3A_468 : vector<1x16xf32> to vector<16xf32>
      %parallel_loop3A_470 = arith.constant 64 : i32
      %parallel_loop3A_471 = arith.addi %parallel_loop3A_470, %parallel_loop3A_424 : i32
      %parallel_loop3A_472 = arith.index_cast %parallel_loop3A_471 : i32 to index
      %parallel_loop3A_473 = arith.constant 48 : index
      %parallel_loop3A_474 = tpu.vector_load %arg8[%parallel_loop3A_472, %parallel_loop3A_473] {strides = array<i32>} : memref<512x128xf32, #tpu.memory_space<vmem>>, vector<1x16xf32>,
      %parallel_loop3A_475 = vector.shape_cast %parallel_loop3A_474 : vector<1x16xf32> to vector<16xf32>
      %parallel_loop3A_476 = vector.shape_cast %parallel_loop3A_469 : vector<16xf32> to vector<1x16xf32>
      tpu.vector_store %arg8[%parallel_loop3A_472, %parallel_loop3A_473], %parallel_loop3A_476 {strides = array<i32>} : memref<512x128xf32, #tpu.memory_space<vmem>>, vector<1x16xf32>,
      %parallel_loop3A_477 = arith.constant 64 : i32
      %parallel_loop3A_478 = arith.addi %parallel_loop3A_477, %parallel_loop3A_424 : i32
      %parallel_loop3A_479 = arith.index_cast %parallel_loop3A_478 : i32 to index
      %parallel_loop3A_480 = arith.constant 64 : index
      %parallel_loop3A_481 = tpu.vector_load %arg7[%parallel_loop3A_479, %parallel_loop3A_480] {strides = array<i32>} : memref<128x128xf32, #tpu.memory_space<vmem>>, vector<1x16xf32>,
      %parallel_loop3A_482 = vector.shape_cast %parallel_loop3A_481 : vector<1x16xf32> to vector<16xf32>
      %parallel_loop3A_483 = arith.constant 64 : i32
      %parallel_loop3A_484 = arith.addi %parallel_loop3A_483, %parallel_loop3A_424 : i32
      %parallel_loop3A_485 = arith.index_cast %parallel_loop3A_484 : i32 to index
      %parallel_loop3A_486 = arith.constant 64 : index
      %parallel_loop3A_487 = tpu.vector_load %arg8[%parallel_loop3A_485, %parallel_loop3A_486] {strides = array<i32>} : memref<512x128xf32, #tpu.memory_space<vmem>>, vector<1x16xf32>,
      %parallel_loop3A_488 = vector.shape_cast %parallel_loop3A_487 : vector<1x16xf32> to vector<16xf32>
      %parallel_loop3A_489 = vector.shape_cast %parallel_loop3A_482 : vector<16xf32> to vector<1x16xf32>
      tpu.vector_store %arg8[%parallel_loop3A_485, %parallel_loop3A_486], %parallel_loop3A_489 {strides = array<i32>} : memref<512x128xf32, #tpu.memory_space<vmem>>, vector<1x16xf32>,
      %parallel_loop3A_490 = arith.constant 64 : i32
      %parallel_loop3A_491 = arith.addi %parallel_loop3A_490, %parallel_loop3A_424 : i32
      %parallel_loop3A_492 = arith.index_cast %parallel_loop3A_491 : i32 to index
      %parallel_loop3A_493 = arith.constant 80 : index
      %parallel_loop3A_494 = tpu.vector_load %arg7[%parallel_loop3A_492, %parallel_loop3A_493] {strides = array<i32>} : memref<128x128xf32, #tpu.memory_space<vmem>>, vector<1x16xf32>,
      %parallel_loop3A_495 = vector.shape_cast %parallel_loop3A_494 : vector<1x16xf32> to vector<16xf32>
      %parallel_loop3A_496 = arith.constant 64 : i32
      %parallel_loop3A_497 = arith.addi %parallel_loop3A_496, %parallel_loop3A_424 : i32
      %parallel_loop3A_498 = arith.index_cast %parallel_loop3A_497 : i32 to index
      %parallel_loop3A_499 = arith.constant 80 : index
      %parallel_loop3A_500 = tpu.vector_load %arg8[%parallel_loop3A_498, %parallel_loop3A_499] {strides = array<i32>} : memref<512x128xf32, #tpu.memory_space<vmem>>, vector<1x16xf32>,
      %parallel_loop3A_501 = vector.shape_cast %parallel_loop3A_500 : vector<1x16xf32> to vector<16xf32>
      %parallel_loop3A_502 = vector.shape_cast %parallel_loop3A_495 : vector<16xf32> to vector<1x16xf32>
      tpu.vector_store %arg8[%parallel_loop3A_498, %parallel_loop3A_499], %parallel_loop3A_502 {strides = array<i32>} : memref<512x128xf32, #tpu.memory_space<vmem>>, vector<1x16xf32>,
      %parallel_loop3A_503 = arith.constant 64 : i32
      %parallel_loop3A_504 = arith.addi %parallel_loop3A_503, %parallel_loop3A_424 : i32
      %parallel_loop3A_505 = arith.index_cast %parallel_loop3A_504 : i32 to index
      %parallel_loop3A_506 = arith.constant 96 : index
      %parallel_loop3A_507 = tpu.vector_load %arg7[%parallel_loop3A_505, %parallel_loop3A_506] {strides = array<i32>} : memref<128x128xf32, #tpu.memory_space<vmem>>, vector<1x16xf32>,
      %parallel_loop3A_508 = vector.shape_cast %parallel_loop3A_507 : vector<1x16xf32> to vector<16xf32>
      %parallel_loop3A_509 = arith.constant 64 : i32
      %parallel_loop3A_510 = arith.addi %parallel_loop3A_509, %parallel_loop3A_424 : i32
      %parallel_loop3A_511 = arith.index_cast %parallel_loop3A_510 : i32 to index
      %parallel_loop3A_512 = arith.constant 96 : index
      %parallel_loop3A_513 = tpu.vector_load %arg8[%parallel_loop3A_511, %parallel_loop3A_512] {strides = array<i32>} : memref<512x128xf32, #tpu.memory_space<vmem>>, vector<1x16xf32>,
      %parallel_loop3A_514 = vector.shape_cast %parallel_loop3A_513 : vector<1x16xf32> to vector<16xf32>
      %parallel_loop3A_515 = vector.shape_cast %parallel_loop3A_508 : vector<16xf32> to vector<1x16xf32>
      tpu.vector_store %arg8[%parallel_loop3A_511, %parallel_loop3A_512], %parallel_loop3A_515 {strides = array<i32>} : memref<512x128xf32, #tpu.memory_space<vmem>>, vector<1x16xf32>,
      %parallel_loop3A_516 = arith.constant 64 : i32
      %parallel_loop3A_517 = arith.addi %parallel_loop3A_516, %parallel_loop3A_424 : i32
      %parallel_loop3A_518 = arith.index_cast %parallel_loop3A_517 : i32 to index
      %parallel_loop3A_519 = arith.constant 112 : index
      %parallel_loop3A_520 = tpu.vector_load %arg7[%parallel_loop3A_518, %parallel_loop3A_519] {strides = array<i32>} : memref<128x128xf32, #tpu.memory_space<vmem>>, vector<1x16xf32>,
      %parallel_loop3A_521 = vector.shape_cast %parallel_loop3A_520 : vector<1x16xf32> to vector<16xf32>
      %parallel_loop3A_522 = arith.constant 64 : i32
      %parallel_loop3A_523 = arith.addi %parallel_loop3A_522, %parallel_loop3A_424 : i32
      %parallel_loop3A_524 = arith.index_cast %parallel_loop3A_523 : i32 to index
      %parallel_loop3A_525 = arith.constant 112 : index
      %parallel_loop3A_526 = tpu.vector_load %arg8[%parallel_loop3A_524, %parallel_loop3A_525] {strides = array<i32>} : memref<512x128xf32, #tpu.memory_space<vmem>>, vector<1x16xf32>,
      %parallel_loop3A_527 = vector.shape_cast %parallel_loop3A_526 : vector<1x16xf32> to vector<16xf32>
      %parallel_loop3A_528 = vector.shape_cast %parallel_loop3A_521 : vector<16xf32> to vector<1x16xf32>
      tpu.vector_store %arg8[%parallel_loop3A_524, %parallel_loop3A_525], %parallel_loop3A_528 {strides = array<i32>} : memref<512x128xf32, #tpu.memory_space<vmem>>, vector<1x16xf32>,
    } {sc.loop_unroll_factor = 2 : i64, sc.parallel_access}
    %dma_start3A_29 = arith.constant 0 : i32
    %dma_start3A_30 = arith.constant 64 : i32
    %dma_start3A_31 = arith.constant 0 : i32
    %dma_start3A_32 = tpu.memref_slice %arg8[%dma_start3A_30, %dma_start3A_31] : memref<512x128xf32, #tpu.memory_space<vmem>> -> memref<64x128xf32, #tpu.memory_space<vmem>>
    %dma_start3A_33 = arith.constant 64 : i32
    %dma_start3A_34 = tpu.memref_slice %arg6[%dma_start3A_29, %dma_start3A_33] : memref<4x128xi32, #tpu.memory_space<vmem>> -> memref<1x64xi32, #tpu.memory_space<vmem>>
    %dma_start3A_35 = tpu.memref_squeeze %dma_start3A_34 : memref<1x64xi32, #tpu.memory_space<vmem>> -> memref<64xi32, #tpu.memory_space<vmem>>
    %dma_start3A_36 = arith.constant 0 : i32
    %dma_start3A_37 = arith.constant 0 : i32
    %dma_start3A_38 = tpu.memref_slice %arg3[%dma_start3A_36, %dma_start3A_37] : memref<100000x128xf32, #tpu.memory_space<hbm>> -> memref<100000x128xf32, #tpu.memory_space<hbm>>
    tpu.enqueue_indirect_dma source(%dma_start3A_38 : memref<100000x128xf32, #tpu.memory_space<hbm>>) target(%dma_start3A_32 : memref<64x128xf32, #tpu.memory_space<vmem>>) offsets(%dma_start3A_35 : memref<64xi32, #tpu.memory_space<vmem>>) semaphore(%arg13 : memref<!tpu.dma_semaphore, #tpu.memory_space<semaphore_mem>>) {add = true}
    %parallel_loop3A_39 = arith.constant 0 : i32
    %parallel_loop3A_40 = arith.constant 64 : i32
    %parallel_loop3A_41 = arith.constant 1 : i32
    scf.for %parallel_loop3A_424 = %parallel_loop3A_39 to %parallel_loop3A_40 step %parallel_loop3A_41  : i32 {
      %parallel_loop3A_425 = arith.constant 0 : i32
      %parallel_loop3A_426 = arith.addi %parallel_loop3A_425, %parallel_loop3A_424 : i32
      %parallel_loop3A_427 = arith.index_cast %parallel_loop3A_426 : i32 to index
      %parallel_loop3A_428 = arith.constant 0 : index
      %parallel_loop3A_429 = tpu.vector_load %arg7[%parallel_loop3A_427, %parallel_loop3A_428] {strides = array<i32>} : memref<128x128xf32, #tpu.memory_space<vmem>>, vector<1x16xf32>,
      %parallel_loop3A_430 = vector.shape_cast %parallel_loop3A_429 : vector<1x16xf32> to vector<16xf32>
      %parallel_loop3A_431 = arith.constant 128 : i32
      %parallel_loop3A_432 = arith.addi %parallel_loop3A_431, %parallel_loop3A_424 : i32
      %parallel_loop3A_433 = arith.index_cast %parallel_loop3A_432 : i32 to index
      %parallel_loop3A_434 = arith.constant 0 : index
      %parallel_loop3A_435 = tpu.vector_load %arg8[%parallel_loop3A_433, %parallel_loop3A_434] {strides = array<i32>} : memref<512x128xf32, #tpu.memory_space<vmem>>, vector<1x16xf32>,
      %parallel_loop3A_436 = vector.shape_cast %parallel_loop3A_435 : vector<1x16xf32> to vector<16xf32>
      %parallel_loop3A_437 = vector.shape_cast %parallel_loop3A_430 : vector<16xf32> to vector<1x16xf32>
      tpu.vector_store %arg8[%parallel_loop3A_433, %parallel_loop3A_434], %parallel_loop3A_437 {strides = array<i32>} : memref<512x128xf32, #tpu.memory_space<vmem>>, vector<1x16xf32>,
      %parallel_loop3A_438 = arith.constant 0 : i32
      %parallel_loop3A_439 = arith.addi %parallel_loop3A_438, %parallel_loop3A_424 : i32
      %parallel_loop3A_440 = arith.index_cast %parallel_loop3A_439 : i32 to index
      %parallel_loop3A_441 = arith.constant 16 : index
      %parallel_loop3A_442 = tpu.vector_load %arg7[%parallel_loop3A_440, %parallel_loop3A_441] {strides = array<i32>} : memref<128x128xf32, #tpu.memory_space<vmem>>, vector<1x16xf32>,
      %parallel_loop3A_443 = vector.shape_cast %parallel_loop3A_442 : vector<1x16xf32> to vector<16xf32>
      %parallel_loop3A_444 = arith.constant 128 : i32
      %parallel_loop3A_445 = arith.addi %parallel_loop3A_444, %parallel_loop3A_424 : i32
      %parallel_loop3A_446 = arith.index_cast %parallel_loop3A_445 : i32 to index
      %parallel_loop3A_447 = arith.constant 16 : index
      %parallel_loop3A_448 = tpu.vector_load %arg8[%parallel_loop3A_446, %parallel_loop3A_447] {strides = array<i32>} : memref<512x128xf32, #tpu.memory_space<vmem>>, vector<1x16xf32>,
      %parallel_loop3A_449 = vector.shape_cast %parallel_loop3A_448 : vector<1x16xf32> to vector<16xf32>
      %parallel_loop3A_450 = vector.shape_cast %parallel_loop3A_443 : vector<16xf32> to vector<1x16xf32>
      tpu.vector_store %arg8[%parallel_loop3A_446, %parallel_loop3A_447], %parallel_loop3A_450 {strides = array<i32>} : memref<512x128xf32, #tpu.memory_space<vmem>>, vector<1x16xf32>,
      %parallel_loop3A_451 = arith.constant 0 : i32
      %parallel_loop3A_452 = arith.addi %parallel_loop3A_451, %parallel_loop3A_424 : i32
      %parallel_loop3A_453 = arith.index_cast %parallel_loop3A_452 : i32 to index
      %parallel_loop3A_454 = arith.constant 32 : index
      %parallel_loop3A_455 = tpu.vector_load %arg7[%parallel_loop3A_453, %parallel_loop3A_454] {strides = array<i32>} : memref<128x128xf32, #tpu.memory_space<vmem>>, vector<1x16xf32>,
      %parallel_loop3A_456 = vector.shape_cast %parallel_loop3A_455 : vector<1x16xf32> to vector<16xf32>
      %parallel_loop3A_457 = arith.constant 128 : i32
      %parallel_loop3A_458 = arith.addi %parallel_loop3A_457, %parallel_loop3A_424 : i32
      %parallel_loop3A_459 = arith.index_cast %parallel_loop3A_458 : i32 to index
      %parallel_loop3A_460 = arith.constant 32 : index
      %parallel_loop3A_461 = tpu.vector_load %arg8[%parallel_loop3A_459, %parallel_loop3A_460] {strides = array<i32>} : memref<512x128xf32, #tpu.memory_space<vmem>>, vector<1x16xf32>,
      %parallel_loop3A_462 = vector.shape_cast %parallel_loop3A_461 : vector<1x16xf32> to vector<16xf32>
      %parallel_loop3A_463 = vector.shape_cast %parallel_loop3A_456 : vector<16xf32> to vector<1x16xf32>
      tpu.vector_store %arg8[%parallel_loop3A_459, %parallel_loop3A_460], %parallel_loop3A_463 {strides = array<i32>} : memref<512x128xf32, #tpu.memory_space<vmem>>, vector<1x16xf32>,
      %parallel_loop3A_464 = arith.constant 0 : i32
      %parallel_loop3A_465 = arith.addi %parallel_loop3A_464, %parallel_loop3A_424 : i32
      %parallel_loop3A_466 = arith.index_cast %parallel_loop3A_465 : i32 to index
      %parallel_loop3A_467 = arith.constant 48 : index
      %parallel_loop3A_468 = tpu.vector_load %arg7[%parallel_loop3A_466, %parallel_loop3A_467] {strides = array<i32>} : memref<128x128xf32, #tpu.memory_space<vmem>>, vector<1x16xf32>,
      %parallel_loop3A_469 = vector.shape_cast %parallel_loop3A_468 : vector<1x16xf32> to vector<16xf32>
      %parallel_loop3A_470 = arith.constant 128 : i32
      %parallel_loop3A_471 = arith.addi %parallel_loop3A_470, %parallel_loop3A_424 : i32
      %parallel_loop3A_472 = arith.index_cast %parallel_loop3A_471 : i32 to index
      %parallel_loop3A_473 = arith.constant 48 : index
      %parallel_loop3A_474 = tpu.vector_load %arg8[%parallel_loop3A_472, %parallel_loop3A_473] {strides = array<i32>} : memref<512x128xf32, #tpu.memory_space<vmem>>, vector<1x16xf32>,
      %parallel_loop3A_475 = vector.shape_cast %parallel_loop3A_474 : vector<1x16xf32> to vector<16xf32>
      %parallel_loop3A_476 = vector.shape_cast %parallel_loop3A_469 : vector<16xf32> to vector<1x16xf32>
      tpu.vector_store %arg8[%parallel_loop3A_472, %parallel_loop3A_473], %parallel_loop3A_476 {strides = array<i32>} : memref<512x128xf32, #tpu.memory_space<vmem>>, vector<1x16xf32>,
      %parallel_loop3A_477 = arith.constant 0 : i32
      %parallel_loop3A_478 = arith.addi %parallel_loop3A_477, %parallel_loop3A_424 : i32
      %parallel_loop3A_479 = arith.index_cast %parallel_loop3A_478 : i32 to index
      %parallel_loop3A_480 = arith.constant 64 : index
      %parallel_loop3A_481 = tpu.vector_load %arg7[%parallel_loop3A_479, %parallel_loop3A_480] {strides = array<i32>} : memref<128x128xf32, #tpu.memory_space<vmem>>, vector<1x16xf32>,
      %parallel_loop3A_482 = vector.shape_cast %parallel_loop3A_481 : vector<1x16xf32> to vector<16xf32>
      %parallel_loop3A_483 = arith.constant 128 : i32
      %parallel_loop3A_484 = arith.addi %parallel_loop3A_483, %parallel_loop3A_424 : i32
      %parallel_loop3A_485 = arith.index_cast %parallel_loop3A_484 : i32 to index
      %parallel_loop3A_486 = arith.constant 64 : index
      %parallel_loop3A_487 = tpu.vector_load %arg8[%parallel_loop3A_485, %parallel_loop3A_486] {strides = array<i32>} : memref<512x128xf32, #tpu.memory_space<vmem>>, vector<1x16xf32>,
      %parallel_loop3A_488 = vector.shape_cast %parallel_loop3A_487 : vector<1x16xf32> to vector<16xf32>
      %parallel_loop3A_489 = vector.shape_cast %parallel_loop3A_482 : vector<16xf32> to vector<1x16xf32>
      tpu.vector_store %arg8[%parallel_loop3A_485, %parallel_loop3A_486], %parallel_loop3A_489 {strides = array<i32>} : memref<512x128xf32, #tpu.memory_space<vmem>>, vector<1x16xf32>,
      %parallel_loop3A_490 = arith.constant 0 : i32
      %parallel_loop3A_491 = arith.addi %parallel_loop3A_490, %parallel_loop3A_424 : i32
      %parallel_loop3A_492 = arith.index_cast %parallel_loop3A_491 : i32 to index
      %parallel_loop3A_493 = arith.constant 80 : index
      %parallel_loop3A_494 = tpu.vector_load %arg7[%parallel_loop3A_492, %parallel_loop3A_493] {strides = array<i32>} : memref<128x128xf32, #tpu.memory_space<vmem>>, vector<1x16xf32>,
      %parallel_loop3A_495 = vector.shape_cast %parallel_loop3A_494 : vector<1x16xf32> to vector<16xf32>
      %parallel_loop3A_496 = arith.constant 128 : i32
      %parallel_loop3A_497 = arith.addi %parallel_loop3A_496, %parallel_loop3A_424 : i32
      %parallel_loop3A_498 = arith.index_cast %parallel_loop3A_497 : i32 to index
      %parallel_loop3A_499 = arith.constant 80 : index
      %parallel_loop3A_500 = tpu.vector_load %arg8[%parallel_loop3A_498, %parallel_loop3A_499] {strides = array<i32>} : memref<512x128xf32, #tpu.memory_space<vmem>>, vector<1x16xf32>,
      %parallel_loop3A_501 = vector.shape_cast %parallel_loop3A_500 : vector<1x16xf32> to vector<16xf32>
      %parallel_loop3A_502 = vector.shape_cast %parallel_loop3A_495 : vector<16xf32> to vector<1x16xf32>
      tpu.vector_store %arg8[%parallel_loop3A_498, %parallel_loop3A_499], %parallel_loop3A_502 {strides = array<i32>} : memref<512x128xf32, #tpu.memory_space<vmem>>, vector<1x16xf32>,
      %parallel_loop3A_503 = arith.constant 0 : i32
      %parallel_loop3A_504 = arith.addi %parallel_loop3A_503, %parallel_loop3A_424 : i32
      %parallel_loop3A_505 = arith.index_cast %parallel_loop3A_504 : i32 to index
      %parallel_loop3A_506 = arith.constant 96 : index
      %parallel_loop3A_507 = tpu.vector_load %arg7[%parallel_loop3A_505, %parallel_loop3A_506] {strides = array<i32>} : memref<128x128xf32, #tpu.memory_space<vmem>>, vector<1x16xf32>,
      %parallel_loop3A_508 = vector.shape_cast %parallel_loop3A_507 : vector<1x16xf32> to vector<16xf32>
      %parallel_loop3A_509 = arith.constant 128 : i32
      %parallel_loop3A_510 = arith.addi %parallel_loop3A_509, %parallel_loop3A_424 : i32
      %parallel_loop3A_511 = arith.index_cast %parallel_loop3A_510 : i32 to index
      %parallel_loop3A_512 = arith.constant 96 : index
      %parallel_loop3A_513 = tpu.vector_load %arg8[%parallel_loop3A_511, %parallel_loop3A_512] {strides = array<i32>} : memref<512x128xf32, #tpu.memory_space<vmem>>, vector<1x16xf32>,
      %parallel_loop3A_514 = vector.shape_cast %parallel_loop3A_513 : vector<1x16xf32> to vector<16xf32>
      %parallel_loop3A_515 = vector.shape_cast %parallel_loop3A_508 : vector<16xf32> to vector<1x16xf32>
      tpu.vector_store %arg8[%parallel_loop3A_511, %parallel_loop3A_512], %parallel_loop3A_515 {strides = array<i32>} : memref<512x128xf32, #tpu.memory_space<vmem>>, vector<1x16xf32>,
      %parallel_loop3A_516 = arith.constant 0 : i32
      %parallel_loop3A_517 = arith.addi %parallel_loop3A_516, %parallel_loop3A_424 : i32
      %parallel_loop3A_518 = arith.index_cast %parallel_loop3A_517 : i32 to index
      %parallel_loop3A_519 = arith.constant 112 : index
      %parallel_loop3A_520 = tpu.vector_load %arg7[%parallel_loop3A_518, %parallel_loop3A_519] {strides = array<i32>} : memref<128x128xf32, #tpu.memory_space<vmem>>, vector<1x16xf32>,
      %parallel_loop3A_521 = vector.shape_cast %parallel_loop3A_520 : vector<1x16xf32> to vector<16xf32>
      %parallel_loop3A_522 = arith.constant 128 : i32
      %parallel_loop3A_523 = arith.addi %parallel_loop3A_522, %parallel_loop3A_424 : i32
      %parallel_loop3A_524 = arith.index_cast %parallel_loop3A_523 : i32 to index
      %parallel_loop3A_525 = arith.constant 112 : index
      %parallel_loop3A_526 = tpu.vector_load %arg8[%parallel_loop3A_524, %parallel_loop3A_525] {strides = array<i32>} : memref<512x128xf32, #tpu.memory_space<vmem>>, vector<1x16xf32>,
      %parallel_loop3A_527 = vector.shape_cast %parallel_loop3A_526 : vector<1x16xf32> to vector<16xf32>
      %parallel_loop3A_528 = vector.shape_cast %parallel_loop3A_521 : vector<16xf32> to vector<1x16xf32>
      tpu.vector_store %arg8[%parallel_loop3A_524, %parallel_loop3A_525], %parallel_loop3A_528 {strides = array<i32>} : memref<512x128xf32, #tpu.memory_space<vmem>>, vector<1x16xf32>,
    } {sc.loop_unroll_factor = 2 : i64, sc.parallel_access}
    %dma_start3A_42 = arith.constant 1 : i32
    %dma_start3A_43 = arith.constant 128 : i32
    %dma_start3A_44 = arith.constant 0 : i32
    %dma_start3A_45 = tpu.memref_slice %arg8[%dma_start3A_43, %dma_start3A_44] : memref<512x128xf32, #tpu.memory_space<vmem>> -> memref<64x128xf32, #tpu.memory_space<vmem>>
    %dma_start3A_46 = arith.constant 0 : i32
    %dma_start3A_47 = tpu.memref_slice %arg6[%dma_start3A_42, %dma_start3A_46] : memref<4x128xi32, #tpu.memory_space<vmem>> -> memref<1x64xi32, #tpu.memory_space<vmem>>
    %dma_start3A_48 = tpu.memref_squeeze %dma_start3A_47 : memref<1x64xi32, #tpu.memory_space<vmem>> -> memref<64xi32, #tpu.memory_space<vmem>>
    %dma_start3A_49 = arith.constant 0 : i32
    %dma_start3A_50 = arith.constant 0 : i32
    %dma_start3A_51 = tpu.memref_slice %arg3[%dma_start3A_49, %dma_start3A_50] : memref<100000x128xf32, #tpu.memory_space<hbm>> -> memref<100000x128xf32, #tpu.memory_space<hbm>>
    tpu.enqueue_indirect_dma source(%dma_start3A_51 : memref<100000x128xf32, #tpu.memory_space<hbm>>) target(%dma_start3A_45 : memref<64x128xf32, #tpu.memory_space<vmem>>) offsets(%dma_start3A_48 : memref<64xi32, #tpu.memory_space<vmem>>) semaphore(%arg14 : memref<!tpu.dma_semaphore, #tpu.memory_space<semaphore_mem>>) {add = true}
    %parallel_loop3A_52 = arith.constant 0 : i32
    %parallel_loop3A_53 = arith.constant 64 : i32
    %parallel_loop3A_54 = arith.constant 1 : i32
    scf.for %parallel_loop3A_424 = %parallel_loop3A_52 to %parallel_loop3A_53 step %parallel_loop3A_54  : i32 {
      %parallel_loop3A_425 = arith.constant 64 : i32
      %parallel_loop3A_426 = arith.addi %parallel_loop3A_425, %parallel_loop3A_424 : i32
      %parallel_loop3A_427 = arith.index_cast %parallel_loop3A_426 : i32 to index
      %parallel_loop3A_428 = arith.constant 0 : index
      %parallel_loop3A_429 = tpu.vector_load %arg7[%parallel_loop3A_427, %parallel_loop3A_428] {strides = array<i32>} : memref<128x128xf32, #tpu.memory_space<vmem>>, vector<1x16xf32>,
      %parallel_loop3A_430 = vector.shape_cast %parallel_loop3A_429 : vector<1x16xf32> to vector<16xf32>
      %parallel_loop3A_431 = arith.constant 192 : i32
      %parallel_loop3A_432 = arith.addi %parallel_loop3A_431, %parallel_loop3A_424 : i32
      %parallel_loop3A_433 = arith.index_cast %parallel_loop3A_432 : i32 to index
      %parallel_loop3A_434 = arith.constant 0 : index
      %parallel_loop3A_435 = tpu.vector_load %arg8[%parallel_loop3A_433, %parallel_loop3A_434] {strides = array<i32>} : memref<512x128xf32, #tpu.memory_space<vmem>>, vector<1x16xf32>,
      %parallel_loop3A_436 = vector.shape_cast %parallel_loop3A_435 : vector<1x16xf32> to vector<16xf32>
      %parallel_loop3A_437 = vector.shape_cast %parallel_loop3A_430 : vector<16xf32> to vector<1x16xf32>
      tpu.vector_store %arg8[%parallel_loop3A_433, %parallel_loop3A_434], %parallel_loop3A_437 {strides = array<i32>} : memref<512x128xf32, #tpu.memory_space<vmem>>, vector<1x16xf32>,
      %parallel_loop3A_438 = arith.constant 64 : i32
      %parallel_loop3A_439 = arith.addi %parallel_loop3A_438, %parallel_loop3A_424 : i32
      %parallel_loop3A_440 = arith.index_cast %parallel_loop3A_439 : i32 to index
      %parallel_loop3A_441 = arith.constant 16 : index
      %parallel_loop3A_442 = tpu.vector_load %arg7[%parallel_loop3A_440, %parallel_loop3A_441] {strides = array<i32>} : memref<128x128xf32, #tpu.memory_space<vmem>>, vector<1x16xf32>,
      %parallel_loop3A_443 = vector.shape_cast %parallel_loop3A_442 : vector<1x16xf32> to vector<16xf32>
      %parallel_loop3A_444 = arith.constant 192 : i32
      %parallel_loop3A_445 = arith.addi %parallel_loop3A_444, %parallel_loop3A_424 : i32
      %parallel_loop3A_446 = arith.index_cast %parallel_loop3A_445 : i32 to index
      %parallel_loop3A_447 = arith.constant 16 : index
      %parallel_loop3A_448 = tpu.vector_load %arg8[%parallel_loop3A_446, %parallel_loop3A_447] {strides = array<i32>} : memref<512x128xf32, #tpu.memory_space<vmem>>, vector<1x16xf32>,
      %parallel_loop3A_449 = vector.shape_cast %parallel_loop3A_448 : vector<1x16xf32> to vector<16xf32>
      %parallel_loop3A_450 = vector.shape_cast %parallel_loop3A_443 : vector<16xf32> to vector<1x16xf32>
      tpu.vector_store %arg8[%parallel_loop3A_446, %parallel_loop3A_447], %parallel_loop3A_450 {strides = array<i32>} : memref<512x128xf32, #tpu.memory_space<vmem>>, vector<1x16xf32>,
      %parallel_loop3A_451 = arith.constant 64 : i32
      %parallel_loop3A_452 = arith.addi %parallel_loop3A_451, %parallel_loop3A_424 : i32
      %parallel_loop3A_453 = arith.index_cast %parallel_loop3A_452 : i32 to index
      %parallel_loop3A_454 = arith.constant 32 : index
      %parallel_loop3A_455 = tpu.vector_load %arg7[%parallel_loop3A_453, %parallel_loop3A_454] {strides = array<i32>} : memref<128x128xf32, #tpu.memory_space<vmem>>, vector<1x16xf32>,
      %parallel_loop3A_456 = vector.shape_cast %parallel_loop3A_455 : vector<1x16xf32> to vector<16xf32>
      %parallel_loop3A_457 = arith.constant 192 : i32
      %parallel_loop3A_458 = arith.addi %parallel_loop3A_457, %parallel_loop3A_424 : i32
      %parallel_loop3A_459 = arith.index_cast %parallel_loop3A_458 : i32 to index
      %parallel_loop3A_460 = arith.constant 32 : index
      %parallel_loop3A_461 = tpu.vector_load %arg8[%parallel_loop3A_459, %parallel_loop3A_460] {strides = array<i32>} : memref<512x128xf32, #tpu.memory_space<vmem>>, vector<1x16xf32>,
      %parallel_loop3A_462 = vector.shape_cast %parallel_loop3A_461 : vector<1x16xf32> to vector<16xf32>
      %parallel_loop3A_463 = vector.shape_cast %parallel_loop3A_456 : vector<16xf32> to vector<1x16xf32>
      tpu.vector_store %arg8[%parallel_loop3A_459, %parallel_loop3A_460], %parallel_loop3A_463 {strides = array<i32>} : memref<512x128xf32, #tpu.memory_space<vmem>>, vector<1x16xf32>,
      %parallel_loop3A_464 = arith.constant 64 : i32
      %parallel_loop3A_465 = arith.addi %parallel_loop3A_464, %parallel_loop3A_424 : i32
      %parallel_loop3A_466 = arith.index_cast %parallel_loop3A_465 : i32 to index
      %parallel_loop3A_467 = arith.constant 48 : index
      %parallel_loop3A_468 = tpu.vector_load %arg7[%parallel_loop3A_466, %parallel_loop3A_467] {strides = array<i32>} : memref<128x128xf32, #tpu.memory_space<vmem>>, vector<1x16xf32>,
      %parallel_loop3A_469 = vector.shape_cast %parallel_loop3A_468 : vector<1x16xf32> to vector<16xf32>
      %parallel_loop3A_470 = arith.constant 192 : i32
      %parallel_loop3A_471 = arith.addi %parallel_loop3A_470, %parallel_loop3A_424 : i32
      %parallel_loop3A_472 = arith.index_cast %parallel_loop3A_471 : i32 to index
      %parallel_loop3A_473 = arith.constant 48 : index
      %parallel_loop3A_474 = tpu.vector_load %arg8[%parallel_loop3A_472, %parallel_loop3A_473] {strides = array<i32>} : memref<512x128xf32, #tpu.memory_space<vmem>>, vector<1x16xf32>,
      %parallel_loop3A_475 = vector.shape_cast %parallel_loop3A_474 : vector<1x16xf32> to vector<16xf32>
      %parallel_loop3A_476 = vector.shape_cast %parallel_loop3A_469 : vector<16xf32> to vector<1x16xf32>
      tpu.vector_store %arg8[%parallel_loop3A_472, %parallel_loop3A_473], %parallel_loop3A_476 {strides = array<i32>} : memref<512x128xf32, #tpu.memory_space<vmem>>, vector<1x16xf32>,
      %parallel_loop3A_477 = arith.constant 64 : i32
      %parallel_loop3A_478 = arith.addi %parallel_loop3A_477, %parallel_loop3A_424 : i32
      %parallel_loop3A_479 = arith.index_cast %parallel_loop3A_478 : i32 to index
      %parallel_loop3A_480 = arith.constant 64 : index
      %parallel_loop3A_481 = tpu.vector_load %arg7[%parallel_loop3A_479, %parallel_loop3A_480] {strides = array<i32>} : memref<128x128xf32, #tpu.memory_space<vmem>>, vector<1x16xf32>,
      %parallel_loop3A_482 = vector.shape_cast %parallel_loop3A_481 : vector<1x16xf32> to vector<16xf32>
      %parallel_loop3A_483 = arith.constant 192 : i32
      %parallel_loop3A_484 = arith.addi %parallel_loop3A_483, %parallel_loop3A_424 : i32
      %parallel_loop3A_485 = arith.index_cast %parallel_loop3A_484 : i32 to index
      %parallel_loop3A_486 = arith.constant 64 : index
      %parallel_loop3A_487 = tpu.vector_load %arg8[%parallel_loop3A_485, %parallel_loop3A_486] {strides = array<i32>} : memref<512x128xf32, #tpu.memory_space<vmem>>, vector<1x16xf32>,
      %parallel_loop3A_488 = vector.shape_cast %parallel_loop3A_487 : vector<1x16xf32> to vector<16xf32>
      %parallel_loop3A_489 = vector.shape_cast %parallel_loop3A_482 : vector<16xf32> to vector<1x16xf32>
      tpu.vector_store %arg8[%parallel_loop3A_485, %parallel_loop3A_486], %parallel_loop3A_489 {strides = array<i32>} : memref<512x128xf32, #tpu.memory_space<vmem>>, vector<1x16xf32>,
      %parallel_loop3A_490 = arith.constant 64 : i32
      %parallel_loop3A_491 = arith.addi %parallel_loop3A_490, %parallel_loop3A_424 : i32
      %parallel_loop3A_492 = arith.index_cast %parallel_loop3A_491 : i32 to index
      %parallel_loop3A_493 = arith.constant 80 : index
      %parallel_loop3A_494 = tpu.vector_load %arg7[%parallel_loop3A_492, %parallel_loop3A_493] {strides = array<i32>} : memref<128x128xf32, #tpu.memory_space<vmem>>, vector<1x16xf32>,
      %parallel_loop3A_495 = vector.shape_cast %parallel_loop3A_494 : vector<1x16xf32> to vector<16xf32>
      %parallel_loop3A_496 = arith.constant 192 : i32
      %parallel_loop3A_497 = arith.addi %parallel_loop3A_496, %parallel_loop3A_424 : i32
      %parallel_loop3A_498 = arith.index_cast %parallel_loop3A_497 : i32 to index
      %parallel_loop3A_499 = arith.constant 80 : index
      %parallel_loop3A_500 = tpu.vector_load %arg8[%parallel_loop3A_498, %parallel_loop3A_499] {strides = array<i32>} : memref<512x128xf32, #tpu.memory_space<vmem>>, vector<1x16xf32>,
      %parallel_loop3A_501 = vector.shape_cast %parallel_loop3A_500 : vector<1x16xf32> to vector<16xf32>
      %parallel_loop3A_502 = vector.shape_cast %parallel_loop3A_495 : vector<16xf32> to vector<1x16xf32>
      tpu.vector_store %arg8[%parallel_loop3A_498, %parallel_loop3A_499], %parallel_loop3A_502 {strides = array<i32>} : memref<512x128xf32, #tpu.memory_space<vmem>>, vector<1x16xf32>,
      %parallel_loop3A_503 = arith.constant 64 : i32
      %parallel_loop3A_504 = arith.addi %parallel_loop3A_503, %parallel_loop3A_424 : i32
      %parallel_loop3A_505 = arith.index_cast %parallel_loop3A_504 : i32 to index
      %parallel_loop3A_506 = arith.constant 96 : index
      %parallel_loop3A_507 = tpu.vector_load %arg7[%parallel_loop3A_505, %parallel_loop3A_506] {strides = array<i32>} : memref<128x128xf32, #tpu.memory_space<vmem>>, vector<1x16xf32>,
      %parallel_loop3A_508 = vector.shape_cast %parallel_loop3A_507 : vector<1x16xf32> to vector<16xf32>
      %parallel_loop3A_509 = arith.constant 192 : i32
      %parallel_loop3A_510 = arith.addi %parallel_loop3A_509, %parallel_loop3A_424 : i32
      %parallel_loop3A_511 = arith.index_cast %parallel_loop3A_510 : i32 to index
      %parallel_loop3A_512 = arith.constant 96 : index
      %parallel_loop3A_513 = tpu.vector_load %arg8[%parallel_loop3A_511, %parallel_loop3A_512] {strides = array<i32>} : memref<512x128xf32, #tpu.memory_space<vmem>>, vector<1x16xf32>,
      %parallel_loop3A_514 = vector.shape_cast %parallel_loop3A_513 : vector<1x16xf32> to vector<16xf32>
      %parallel_loop3A_515 = vector.shape_cast %parallel_loop3A_508 : vector<16xf32> to vector<1x16xf32>
      tpu.vector_store %arg8[%parallel_loop3A_511, %parallel_loop3A_512], %parallel_loop3A_515 {strides = array<i32>} : memref<512x128xf32, #tpu.memory_space<vmem>>, vector<1x16xf32>,
      %parallel_loop3A_516 = arith.constant 64 : i32
      %parallel_loop3A_517 = arith.addi %parallel_loop3A_516, %parallel_loop3A_424 : i32
      %parallel_loop3A_518 = arith.index_cast %parallel_loop3A_517 : i32 to index
      %parallel_loop3A_519 = arith.constant 112 : index
      %parallel_loop3A_520 = tpu.vector_load %arg7[%parallel_loop3A_518, %parallel_loop3A_519] {strides = array<i32>} : memref<128x128xf32, #tpu.memory_space<vmem>>, vector<1x16xf32>,
      %parallel_loop3A_521 = vector.shape_cast %parallel_loop3A_520 : vector<1x16xf32> to vector<16xf32>
      %parallel_loop3A_522 = arith.constant 192 : i32
      %parallel_loop3A_523 = arith.addi %parallel_loop3A_522, %parallel_loop3A_424 : i32
      %parallel_loop3A_524 = arith.index_cast %parallel_loop3A_523 : i32 to index
      %parallel_loop3A_525 = arith.constant 112 : index
      %parallel_loop3A_526 = tpu.vector_load %arg8[%parallel_loop3A_524, %parallel_loop3A_525] {strides = array<i32>} : memref<512x128xf32, #tpu.memory_space<vmem>>, vector<1x16xf32>,
      %parallel_loop3A_527 = vector.shape_cast %parallel_loop3A_526 : vector<1x16xf32> to vector<16xf32>
      %parallel_loop3A_528 = vector.shape_cast %parallel_loop3A_521 : vector<16xf32> to vector<1x16xf32>
      tpu.vector_store %arg8[%parallel_loop3A_524, %parallel_loop3A_525], %parallel_loop3A_528 {strides = array<i32>} : memref<512x128xf32, #tpu.memory_space<vmem>>, vector<1x16xf32>,
    } {sc.loop_unroll_factor = 2 : i64, sc.parallel_access}
    %dma_start3A_55 = arith.constant 1 : i32
    %dma_start3A_56 = arith.constant 192 : i32
    %dma_start3A_57 = arith.constant 0 : i32
    %dma_start3A_58 = tpu.memref_slice %arg8[%dma_start3A_56, %dma_start3A_57] : memref<512x128xf32, #tpu.memory_space<vmem>> -> memref<64x128xf32, #tpu.memory_space<vmem>>
    %dma_start3A_59 = arith.constant 64 : i32
    %dma_start3A_60 = tpu.memref_slice %arg6[%dma_start3A_55, %dma_start3A_59] : memref<4x128xi32, #tpu.memory_space<vmem>> -> memref<1x64xi32, #tpu.memory_space<vmem>>
    %dma_start3A_61 = tpu.memref_squeeze %dma_start3A_60 : memref<1x64xi32, #tpu.memory_space<vmem>> -> memref<64xi32, #tpu.memory_space<vmem>>
    %dma_start3A_62 = arith.constant 0 : i32
    %dma_start3A_63 = arith.constant 0 : i32
    %dma_start3A_64 = tpu.memref_slice %arg3[%dma_start3A_62, %dma_start3A_63] : memref<100000x128xf32, #tpu.memory_space<hbm>> -> memref<100000x128xf32, #tpu.memory_space<hbm>>
    tpu.enqueue_indirect_dma source(%dma_start3A_64 : memref<100000x128xf32, #tpu.memory_space<hbm>>) target(%dma_start3A_58 : memref<64x128xf32, #tpu.memory_space<vmem>>) offsets(%dma_start3A_61 : memref<64xi32, #tpu.memory_space<vmem>>) semaphore(%arg15 : memref<!tpu.dma_semaphore, #tpu.memory_space<semaphore_mem>>) {add = true}
    %parallel_loop3A_65 = arith.constant 0 : i32
    %parallel_loop3A_66 = arith.constant 64 : i32
    %parallel_loop3A_67 = arith.constant 1 : i32
    scf.for %parallel_loop3A_424 = %parallel_loop3A_65 to %parallel_loop3A_66 step %parallel_loop3A_67  : i32 {
      %parallel_loop3A_425 = arith.constant 0 : i32
      %parallel_loop3A_426 = arith.addi %parallel_loop3A_425, %parallel_loop3A_424 : i32
      %parallel_loop3A_427 = arith.index_cast %parallel_loop3A_426 : i32 to index
      %parallel_loop3A_428 = arith.constant 0 : index
      %parallel_loop3A_429 = tpu.vector_load %arg7[%parallel_loop3A_427, %parallel_loop3A_428] {strides = array<i32>} : memref<128x128xf32, #tpu.memory_space<vmem>>, vector<1x16xf32>,
      %parallel_loop3A_430 = vector.shape_cast %parallel_loop3A_429 : vector<1x16xf32> to vector<16xf32>
      %parallel_loop3A_431 = arith.constant 256 : i32
      %parallel_loop3A_432 = arith.addi %parallel_loop3A_431, %parallel_loop3A_424 : i32
      %parallel_loop3A_433 = arith.index_cast %parallel_loop3A_432 : i32 to index
      %parallel_loop3A_434 = arith.constant 0 : index
      %parallel_loop3A_435 = tpu.vector_load %arg8[%parallel_loop3A_433, %parallel_loop3A_434] {strides = array<i32>} : memref<512x128xf32, #tpu.memory_space<vmem>>, vector<1x16xf32>,
      %parallel_loop3A_436 = vector.shape_cast %parallel_loop3A_435 : vector<1x16xf32> to vector<16xf32>
      %parallel_loop3A_437 = vector.shape_cast %parallel_loop3A_430 : vector<16xf32> to vector<1x16xf32>
      tpu.vector_store %arg8[%parallel_loop3A_433, %parallel_loop3A_434], %parallel_loop3A_437 {strides = array<i32>} : memref<512x128xf32, #tpu.memory_space<vmem>>, vector<1x16xf32>,
      %parallel_loop3A_438 = arith.constant 0 : i32
      %parallel_loop3A_439 = arith.addi %parallel_loop3A_438, %parallel_loop3A_424 : i32
      %parallel_loop3A_440 = arith.index_cast %parallel_loop3A_439 : i32 to index
      %parallel_loop3A_441 = arith.constant 16 : index
      %parallel_loop3A_442 = tpu.vector_load %arg7[%parallel_loop3A_440, %parallel_loop3A_441] {strides = array<i32>} : memref<128x128xf32, #tpu.memory_space<vmem>>, vector<1x16xf32>,
      %parallel_loop3A_443 = vector.shape_cast %parallel_loop3A_442 : vector<1x16xf32> to vector<16xf32>
      %parallel_loop3A_444 = arith.constant 256 : i32
      %parallel_loop3A_445 = arith.addi %parallel_loop3A_444, %parallel_loop3A_424 : i32
      %parallel_loop3A_446 = arith.index_cast %parallel_loop3A_445 : i32 to index
      %parallel_loop3A_447 = arith.constant 16 : index
      %parallel_loop3A_448 = tpu.vector_load %arg8[%parallel_loop3A_446, %parallel_loop3A_447] {strides = array<i32>} : memref<512x128xf32, #tpu.memory_space<vmem>>, vector<1x16xf32>,
      %parallel_loop3A_449 = vector.shape_cast %parallel_loop3A_448 : vector<1x16xf32> to vector<16xf32>
      %parallel_loop3A_450 = vector.shape_cast %parallel_loop3A_443 : vector<16xf32> to vector<1x16xf32>
      tpu.vector_store %arg8[%parallel_loop3A_446, %parallel_loop3A_447], %parallel_loop3A_450 {strides = array<i32>} : memref<512x128xf32, #tpu.memory_space<vmem>>, vector<1x16xf32>,
      %parallel_loop3A_451 = arith.constant 0 : i32
      %parallel_loop3A_452 = arith.addi %parallel_loop3A_451, %parallel_loop3A_424 : i32
      %parallel_loop3A_453 = arith.index_cast %parallel_loop3A_452 : i32 to index
      %parallel_loop3A_454 = arith.constant 32 : index
      %parallel_loop3A_455 = tpu.vector_load %arg7[%parallel_loop3A_453, %parallel_loop3A_454] {strides = array<i32>} : memref<128x128xf32, #tpu.memory_space<vmem>>, vector<1x16xf32>,
      %parallel_loop3A_456 = vector.shape_cast %parallel_loop3A_455 : vector<1x16xf32> to vector<16xf32>
      %parallel_loop3A_457 = arith.constant 256 : i32
      %parallel_loop3A_458 = arith.addi %parallel_loop3A_457, %parallel_loop3A_424 : i32
      %parallel_loop3A_459 = arith.index_cast %parallel_loop3A_458 : i32 to index
      %parallel_loop3A_460 = arith.constant 32 : index
      %parallel_loop3A_461 = tpu.vector_load %arg8[%parallel_loop3A_459, %parallel_loop3A_460] {strides = array<i32>} : memref<512x128xf32, #tpu.memory_space<vmem>>, vector<1x16xf32>,
      %parallel_loop3A_462 = vector.shape_cast %parallel_loop3A_461 : vector<1x16xf32> to vector<16xf32>
      %parallel_loop3A_463 = vector.shape_cast %parallel_loop3A_456 : vector<16xf32> to vector<1x16xf32>
      tpu.vector_store %arg8[%parallel_loop3A_459, %parallel_loop3A_460], %parallel_loop3A_463 {strides = array<i32>} : memref<512x128xf32, #tpu.memory_space<vmem>>, vector<1x16xf32>,
      %parallel_loop3A_464 = arith.constant 0 : i32
      %parallel_loop3A_465 = arith.addi %parallel_loop3A_464, %parallel_loop3A_424 : i32
      %parallel_loop3A_466 = arith.index_cast %parallel_loop3A_465 : i32 to index
      %parallel_loop3A_467 = arith.constant 48 : index
      %parallel_loop3A_468 = tpu.vector_load %arg7[%parallel_loop3A_466, %parallel_loop3A_467] {strides = array<i32>} : memref<128x128xf32, #tpu.memory_space<vmem>>, vector<1x16xf32>,
      %parallel_loop3A_469 = vector.shape_cast %parallel_loop3A_468 : vector<1x16xf32> to vector<16xf32>
      %parallel_loop3A_470 = arith.constant 256 : i32
      %parallel_loop3A_471 = arith.addi %parallel_loop3A_470, %parallel_loop3A_424 : i32
      %parallel_loop3A_472 = arith.index_cast %parallel_loop3A_471 : i32 to index
      %parallel_loop3A_473 = arith.constant 48 : index
      %parallel_loop3A_474 = tpu.vector_load %arg8[%parallel_loop3A_472, %parallel_loop3A_473] {strides = array<i32>} : memref<512x128xf32, #tpu.memory_space<vmem>>, vector<1x16xf32>,
      %parallel_loop3A_475 = vector.shape_cast %parallel_loop3A_474 : vector<1x16xf32> to vector<16xf32>
      %parallel_loop3A_476 = vector.shape_cast %parallel_loop3A_469 : vector<16xf32> to vector<1x16xf32>
      tpu.vector_store %arg8[%parallel_loop3A_472, %parallel_loop3A_473], %parallel_loop3A_476 {strides = array<i32>} : memref<512x128xf32, #tpu.memory_space<vmem>>, vector<1x16xf32>,
      %parallel_loop3A_477 = arith.constant 0 : i32
      %parallel_loop3A_478 = arith.addi %parallel_loop3A_477, %parallel_loop3A_424 : i32
      %parallel_loop3A_479 = arith.index_cast %parallel_loop3A_478 : i32 to index
      %parallel_loop3A_480 = arith.constant 64 : index
      %parallel_loop3A_481 = tpu.vector_load %arg7[%parallel_loop3A_479, %parallel_loop3A_480] {strides = array<i32>} : memref<128x128xf32, #tpu.memory_space<vmem>>, vector<1x16xf32>,
      %parallel_loop3A_482 = vector.shape_cast %parallel_loop3A_481 : vector<1x16xf32> to vector<16xf32>
      %parallel_loop3A_483 = arith.constant 256 : i32
      %parallel_loop3A_484 = arith.addi %parallel_loop3A_483, %parallel_loop3A_424 : i32
      %parallel_loop3A_485 = arith.index_cast %parallel_loop3A_484 : i32 to index
      %parallel_loop3A_486 = arith.constant 64 : index
      %parallel_loop3A_487 = tpu.vector_load %arg8[%parallel_loop3A_485, %parallel_loop3A_486] {strides = array<i32>} : memref<512x128xf32, #tpu.memory_space<vmem>>, vector<1x16xf32>,
      %parallel_loop3A_488 = vector.shape_cast %parallel_loop3A_487 : vector<1x16xf32> to vector<16xf32>
      %parallel_loop3A_489 = vector.shape_cast %parallel_loop3A_482 : vector<16xf32> to vector<1x16xf32>
      tpu.vector_store %arg8[%parallel_loop3A_485, %parallel_loop3A_486], %parallel_loop3A_489 {strides = array<i32>} : memref<512x128xf32, #tpu.memory_space<vmem>>, vector<1x16xf32>,
      %parallel_loop3A_490 = arith.constant 0 : i32
      %parallel_loop3A_491 = arith.addi %parallel_loop3A_490, %parallel_loop3A_424 : i32
      %parallel_loop3A_492 = arith.index_cast %parallel_loop3A_491 : i32 to index
      %parallel_loop3A_493 = arith.constant 80 : index
      %parallel_loop3A_494 = tpu.vector_load %arg7[%parallel_loop3A_492, %parallel_loop3A_493] {strides = array<i32>} : memref<128x128xf32, #tpu.memory_space<vmem>>, vector<1x16xf32>,
      %parallel_loop3A_495 = vector.shape_cast %parallel_loop3A_494 : vector<1x16xf32> to vector<16xf32>
      %parallel_loop3A_496 = arith.constant 256 : i32
      %parallel_loop3A_497 = arith.addi %parallel_loop3A_496, %parallel_loop3A_424 : i32
      %parallel_loop3A_498 = arith.index_cast %parallel_loop3A_497 : i32 to index
      %parallel_loop3A_499 = arith.constant 80 : index
      %parallel_loop3A_500 = tpu.vector_load %arg8[%parallel_loop3A_498, %parallel_loop3A_499] {strides = array<i32>} : memref<512x128xf32, #tpu.memory_space<vmem>>, vector<1x16xf32>,
      %parallel_loop3A_501 = vector.shape_cast %parallel_loop3A_500 : vector<1x16xf32> to vector<16xf32>
      %parallel_loop3A_502 = vector.shape_cast %parallel_loop3A_495 : vector<16xf32> to vector<1x16xf32>
      tpu.vector_store %arg8[%parallel_loop3A_498, %parallel_loop3A_499], %parallel_loop3A_502 {strides = array<i32>} : memref<512x128xf32, #tpu.memory_space<vmem>>, vector<1x16xf32>,
      %parallel_loop3A_503 = arith.constant 0 : i32
      %parallel_loop3A_504 = arith.addi %parallel_loop3A_503, %parallel_loop3A_424 : i32
      %parallel_loop3A_505 = arith.index_cast %parallel_loop3A_504 : i32 to index
      %parallel_loop3A_506 = arith.constant 96 : index
      %parallel_loop3A_507 = tpu.vector_load %arg7[%parallel_loop3A_505, %parallel_loop3A_506] {strides = array<i32>} : memref<128x128xf32, #tpu.memory_space<vmem>>, vector<1x16xf32>,
      %parallel_loop3A_508 = vector.shape_cast %parallel_loop3A_507 : vector<1x16xf32> to vector<16xf32>
      %parallel_loop3A_509 = arith.constant 256 : i32
      %parallel_loop3A_510 = arith.addi %parallel_loop3A_509, %parallel_loop3A_424 : i32
      %parallel_loop3A_511 = arith.index_cast %parallel_loop3A_510 : i32 to index
      %parallel_loop3A_512 = arith.constant 96 : index
      %parallel_loop3A_513 = tpu.vector_load %arg8[%parallel_loop3A_511, %parallel_loop3A_512] {strides = array<i32>} : memref<512x128xf32, #tpu.memory_space<vmem>>, vector<1x16xf32>,
      %parallel_loop3A_514 = vector.shape_cast %parallel_loop3A_513 : vector<1x16xf32> to vector<16xf32>
      %parallel_loop3A_515 = vector.shape_cast %parallel_loop3A_508 : vector<16xf32> to vector<1x16xf32>
      tpu.vector_store %arg8[%parallel_loop3A_511, %parallel_loop3A_512], %parallel_loop3A_515 {strides = array<i32>} : memref<512x128xf32, #tpu.memory_space<vmem>>, vector<1x16xf32>,
      %parallel_loop3A_516 = arith.constant 0 : i32
      %parallel_loop3A_517 = arith.addi %parallel_loop3A_516, %parallel_loop3A_424 : i32
      %parallel_loop3A_518 = arith.index_cast %parallel_loop3A_517 : i32 to index
      %parallel_loop3A_519 = arith.constant 112 : index
      %parallel_loop3A_520 = tpu.vector_load %arg7[%parallel_loop3A_518, %parallel_loop3A_519] {strides = array<i32>} : memref<128x128xf32, #tpu.memory_space<vmem>>, vector<1x16xf32>,
      %parallel_loop3A_521 = vector.shape_cast %parallel_loop3A_520 : vector<1x16xf32> to vector<16xf32>
      %parallel_loop3A_522 = arith.constant 256 : i32
      %parallel_loop3A_523 = arith.addi %parallel_loop3A_522, %parallel_loop3A_424 : i32
      %parallel_loop3A_524 = arith.index_cast %parallel_loop3A_523 : i32 to index
      %parallel_loop3A_525 = arith.constant 112 : index
      %parallel_loop3A_526 = tpu.vector_load %arg8[%parallel_loop3A_524, %parallel_loop3A_525] {strides = array<i32>} : memref<512x128xf32, #tpu.memory_space<vmem>>, vector<1x16xf32>,
      %parallel_loop3A_527 = vector.shape_cast %parallel_loop3A_526 : vector<1x16xf32> to vector<16xf32>
      %parallel_loop3A_528 = vector.shape_cast %parallel_loop3A_521 : vector<16xf32> to vector<1x16xf32>
      tpu.vector_store %arg8[%parallel_loop3A_524, %parallel_loop3A_525], %parallel_loop3A_528 {strides = array<i32>} : memref<512x128xf32, #tpu.memory_space<vmem>>, vector<1x16xf32>,
    } {sc.loop_unroll_factor = 2 : i64, sc.parallel_access}
    %dma_start3A_68 = arith.constant 2 : i32
    %dma_start3A_69 = arith.constant 256 : i32
    %dma_start3A_70 = arith.constant 0 : i32
    %dma_start3A_71 = tpu.memref_slice %arg8[%dma_start3A_69, %dma_start3A_70] : memref<512x128xf32, #tpu.memory_space<vmem>> -> memref<64x128xf32, #tpu.memory_space<vmem>>
    %dma_start3A_72 = arith.constant 0 : i32
    %dma_start3A_73 = tpu.memref_slice %arg6[%dma_start3A_68, %dma_start3A_72] : memref<4x128xi32, #tpu.memory_space<vmem>> -> memref<1x64xi32, #tpu.memory_space<vmem>>
    %dma_start3A_74 = tpu.memref_squeeze %dma_start3A_73 : memref<1x64xi32, #tpu.memory_space<vmem>> -> memref<64xi32, #tpu.memory_space<vmem>>
    %dma_start3A_75 = arith.constant 0 : i32
    %dma_start3A_76 = arith.constant 0 : i32
    %dma_start3A_77 = tpu.memref_slice %arg3[%dma_start3A_75, %dma_start3A_76] : memref<100000x128xf32, #tpu.memory_space<hbm>> -> memref<100000x128xf32, #tpu.memory_space<hbm>>
    tpu.enqueue_indirect_dma source(%dma_start3A_77 : memref<100000x128xf32, #tpu.memory_space<hbm>>) target(%dma_start3A_71 : memref<64x128xf32, #tpu.memory_space<vmem>>) offsets(%dma_start3A_74 : memref<64xi32, #tpu.memory_space<vmem>>) semaphore(%arg16 : memref<!tpu.dma_semaphore, #tpu.memory_space<semaphore_mem>>) {add = true}
    %parallel_loop3A_78 = arith.constant 0 : i32
    %parallel_loop3A_79 = arith.constant 64 : i32
    %parallel_loop3A_80 = arith.constant 1 : i32
    scf.for %parallel_loop3A_424 = %parallel_loop3A_78 to %parallel_loop3A_79 step %parallel_loop3A_80  : i32 {
      %parallel_loop3A_425 = arith.constant 64 : i32
      %parallel_loop3A_426 = arith.addi %parallel_loop3A_425, %parallel_loop3A_424 : i32
      %parallel_loop3A_427 = arith.index_cast %parallel_loop3A_426 : i32 to index
      %parallel_loop3A_428 = arith.constant 0 : index
      %parallel_loop3A_429 = tpu.vector_load %arg7[%parallel_loop3A_427, %parallel_loop3A_428] {strides = array<i32>} : memref<128x128xf32, #tpu.memory_space<vmem>>, vector<1x16xf32>,
      %parallel_loop3A_430 = vector.shape_cast %parallel_loop3A_429 : vector<1x16xf32> to vector<16xf32>
      %parallel_loop3A_431 = arith.constant 320 : i32
      %parallel_loop3A_432 = arith.addi %parallel_loop3A_431, %parallel_loop3A_424 : i32
      %parallel_loop3A_433 = arith.index_cast %parallel_loop3A_432 : i32 to index
      %parallel_loop3A_434 = arith.constant 0 : index
      %parallel_loop3A_435 = tpu.vector_load %arg8[%parallel_loop3A_433, %parallel_loop3A_434] {strides = array<i32>} : memref<512x128xf32, #tpu.memory_space<vmem>>, vector<1x16xf32>,
      %parallel_loop3A_436 = vector.shape_cast %parallel_loop3A_435 : vector<1x16xf32> to vector<16xf32>
      %parallel_loop3A_437 = vector.shape_cast %parallel_loop3A_430 : vector<16xf32> to vector<1x16xf32>
      tpu.vector_store %arg8[%parallel_loop3A_433, %parallel_loop3A_434], %parallel_loop3A_437 {strides = array<i32>} : memref<512x128xf32, #tpu.memory_space<vmem>>, vector<1x16xf32>,
      %parallel_loop3A_438 = arith.constant 64 : i32
      %parallel_loop3A_439 = arith.addi %parallel_loop3A_438, %parallel_loop3A_424 : i32
      %parallel_loop3A_440 = arith.index_cast %parallel_loop3A_439 : i32 to index
      %parallel_loop3A_441 = arith.constant 16 : index
      %parallel_loop3A_442 = tpu.vector_load %arg7[%parallel_loop3A_440, %parallel_loop3A_441] {strides = array<i32>} : memref<128x128xf32, #tpu.memory_space<vmem>>, vector<1x16xf32>,
      %parallel_loop3A_443 = vector.shape_cast %parallel_loop3A_442 : vector<1x16xf32> to vector<16xf32>
      %parallel_loop3A_444 = arith.constant 320 : i32
      %parallel_loop3A_445 = arith.addi %parallel_loop3A_444, %parallel_loop3A_424 : i32
      %parallel_loop3A_446 = arith.index_cast %parallel_loop3A_445 : i32 to index
      %parallel_loop3A_447 = arith.constant 16 : index
      %parallel_loop3A_448 = tpu.vector_load %arg8[%parallel_loop3A_446, %parallel_loop3A_447] {strides = array<i32>} : memref<512x128xf32, #tpu.memory_space<vmem>>, vector<1x16xf32>,
      %parallel_loop3A_449 = vector.shape_cast %parallel_loop3A_448 : vector<1x16xf32> to vector<16xf32>
      %parallel_loop3A_450 = vector.shape_cast %parallel_loop3A_443 : vector<16xf32> to vector<1x16xf32>
      tpu.vector_store %arg8[%parallel_loop3A_446, %parallel_loop3A_447], %parallel_loop3A_450 {strides = array<i32>} : memref<512x128xf32, #tpu.memory_space<vmem>>, vector<1x16xf32>,
      %parallel_loop3A_451 = arith.constant 64 : i32
      %parallel_loop3A_452 = arith.addi %parallel_loop3A_451, %parallel_loop3A_424 : i32
      %parallel_loop3A_453 = arith.index_cast %parallel_loop3A_452 : i32 to index
      %parallel_loop3A_454 = arith.constant 32 : index
      %parallel_loop3A_455 = tpu.vector_load %arg7[%parallel_loop3A_453, %parallel_loop3A_454] {strides = array<i32>} : memref<128x128xf32, #tpu.memory_space<vmem>>, vector<1x16xf32>,
      %parallel_loop3A_456 = vector.shape_cast %parallel_loop3A_455 : vector<1x16xf32> to vector<16xf32>
      %parallel_loop3A_457 = arith.constant 320 : i32
      %parallel_loop3A_458 = arith.addi %parallel_loop3A_457, %parallel_loop3A_424 : i32
      %parallel_loop3A_459 = arith.index_cast %parallel_loop3A_458 : i32 to index
      %parallel_loop3A_460 = arith.constant 32 : index
      %parallel_loop3A_461 = tpu.vector_load %arg8[%parallel_loop3A_459, %parallel_loop3A_460] {strides = array<i32>} : memref<512x128xf32, #tpu.memory_space<vmem>>, vector<1x16xf32>,
      %parallel_loop3A_462 = vector.shape_cast %parallel_loop3A_461 : vector<1x16xf32> to vector<16xf32>
      %parallel_loop3A_463 = vector.shape_cast %parallel_loop3A_456 : vector<16xf32> to vector<1x16xf32>
      tpu.vector_store %arg8[%parallel_loop3A_459, %parallel_loop3A_460], %parallel_loop3A_463 {strides = array<i32>} : memref<512x128xf32, #tpu.memory_space<vmem>>, vector<1x16xf32>,
      %parallel_loop3A_464 = arith.constant 64 : i32
      %parallel_loop3A_465 = arith.addi %parallel_loop3A_464, %parallel_loop3A_424 : i32
      %parallel_loop3A_466 = arith.index_cast %parallel_loop3A_465 : i32 to index
      %parallel_loop3A_467 = arith.constant 48 : index
      %parallel_loop3A_468 = tpu.vector_load %arg7[%parallel_loop3A_466, %parallel_loop3A_467] {strides = array<i32>} : memref<128x128xf32, #tpu.memory_space<vmem>>, vector<1x16xf32>,
      %parallel_loop3A_469 = vector.shape_cast %parallel_loop3A_468 : vector<1x16xf32> to vector<16xf32>
      %parallel_loop3A_470 = arith.constant 320 : i32
      %parallel_loop3A_471 = arith.addi %parallel_loop3A_470, %parallel_loop3A_424 : i32
      %parallel_loop3A_472 = arith.index_cast %parallel_loop3A_471 : i32 to index
      %parallel_loop3A_473 = arith.constant 48 : index
      %parallel_loop3A_474 = tpu.vector_load %arg8[%parallel_loop3A_472, %parallel_loop3A_473] {strides = array<i32>} : memref<512x128xf32, #tpu.memory_space<vmem>>, vector<1x16xf32>,
      %parallel_loop3A_475 = vector.shape_cast %parallel_loop3A_474 : vector<1x16xf32> to vector<16xf32>
      %parallel_loop3A_476 = vector.shape_cast %parallel_loop3A_469 : vector<16xf32> to vector<1x16xf32>
      tpu.vector_store %arg8[%parallel_loop3A_472, %parallel_loop3A_473], %parallel_loop3A_476 {strides = array<i32>} : memref<512x128xf32, #tpu.memory_space<vmem>>, vector<1x16xf32>,
      %parallel_loop3A_477 = arith.constant 64 : i32
      %parallel_loop3A_478 = arith.addi %parallel_loop3A_477, %parallel_loop3A_424 : i32
      %parallel_loop3A_479 = arith.index_cast %parallel_loop3A_478 : i32 to index
      %parallel_loop3A_480 = arith.constant 64 : index
      %parallel_loop3A_481 = tpu.vector_load %arg7[%parallel_loop3A_479, %parallel_loop3A_480] {strides = array<i32>} : memref<128x128xf32, #tpu.memory_space<vmem>>, vector<1x16xf32>,
      %parallel_loop3A_482 = vector.shape_cast %parallel_loop3A_481 : vector<1x16xf32> to vector<16xf32>
      %parallel_loop3A_483 = arith.constant 320 : i32
      %parallel_loop3A_484 = arith.addi %parallel_loop3A_483, %parallel_loop3A_424 : i32
      %parallel_loop3A_485 = arith.index_cast %parallel_loop3A_484 : i32 to index
      %parallel_loop3A_486 = arith.constant 64 : index
      %parallel_loop3A_487 = tpu.vector_load %arg8[%parallel_loop3A_485, %parallel_loop3A_486] {strides = array<i32>} : memref<512x128xf32, #tpu.memory_space<vmem>>, vector<1x16xf32>,
      %parallel_loop3A_488 = vector.shape_cast %parallel_loop3A_487 : vector<1x16xf32> to vector<16xf32>
      %parallel_loop3A_489 = vector.shape_cast %parallel_loop3A_482 : vector<16xf32> to vector<1x16xf32>
      tpu.vector_store %arg8[%parallel_loop3A_485, %parallel_loop3A_486], %parallel_loop3A_489 {strides = array<i32>} : memref<512x128xf32, #tpu.memory_space<vmem>>, vector<1x16xf32>,
      %parallel_loop3A_490 = arith.constant 64 : i32
      %parallel_loop3A_491 = arith.addi %parallel_loop3A_490, %parallel_loop3A_424 : i32
      %parallel_loop3A_492 = arith.index_cast %parallel_loop3A_491 : i32 to index
      %parallel_loop3A_493 = arith.constant 80 : index
      %parallel_loop3A_494 = tpu.vector_load %arg7[%parallel_loop3A_492, %parallel_loop3A_493] {strides = array<i32>} : memref<128x128xf32, #tpu.memory_space<vmem>>, vector<1x16xf32>,
      %parallel_loop3A_495 = vector.shape_cast %parallel_loop3A_494 : vector<1x16xf32> to vector<16xf32>
      %parallel_loop3A_496 = arith.constant 320 : i32
      %parallel_loop3A_497 = arith.addi %parallel_loop3A_496, %parallel_loop3A_424 : i32
      %parallel_loop3A_498 = arith.index_cast %parallel_loop3A_497 : i32 to index
      %parallel_loop3A_499 = arith.constant 80 : index
      %parallel_loop3A_500 = tpu.vector_load %arg8[%parallel_loop3A_498, %parallel_loop3A_499] {strides = array<i32>} : memref<512x128xf32, #tpu.memory_space<vmem>>, vector<1x16xf32>,
      %parallel_loop3A_501 = vector.shape_cast %parallel_loop3A_500 : vector<1x16xf32> to vector<16xf32>
      %parallel_loop3A_502 = vector.shape_cast %parallel_loop3A_495 : vector<16xf32> to vector<1x16xf32>
      tpu.vector_store %arg8[%parallel_loop3A_498, %parallel_loop3A_499], %parallel_loop3A_502 {strides = array<i32>} : memref<512x128xf32, #tpu.memory_space<vmem>>, vector<1x16xf32>,
      %parallel_loop3A_503 = arith.constant 64 : i32
      %parallel_loop3A_504 = arith.addi %parallel_loop3A_503, %parallel_loop3A_424 : i32
      %parallel_loop3A_505 = arith.index_cast %parallel_loop3A_504 : i32 to index
      %parallel_loop3A_506 = arith.constant 96 : index
      %parallel_loop3A_507 = tpu.vector_load %arg7[%parallel_loop3A_505, %parallel_loop3A_506] {strides = array<i32>} : memref<128x128xf32, #tpu.memory_space<vmem>>, vector<1x16xf32>,
      %parallel_loop3A_508 = vector.shape_cast %parallel_loop3A_507 : vector<1x16xf32> to vector<16xf32>
      %parallel_loop3A_509 = arith.constant 320 : i32
      %parallel_loop3A_510 = arith.addi %parallel_loop3A_509, %parallel_loop3A_424 : i32
      %parallel_loop3A_511 = arith.index_cast %parallel_loop3A_510 : i32 to index
      %parallel_loop3A_512 = arith.constant 96 : index
      %parallel_loop3A_513 = tpu.vector_load %arg8[%parallel_loop3A_511, %parallel_loop3A_512] {strides = array<i32>} : memref<512x128xf32, #tpu.memory_space<vmem>>, vector<1x16xf32>,
      %parallel_loop3A_514 = vector.shape_cast %parallel_loop3A_513 : vector<1x16xf32> to vector<16xf32>
      %parallel_loop3A_515 = vector.shape_cast %parallel_loop3A_508 : vector<16xf32> to vector<1x16xf32>
      tpu.vector_store %arg8[%parallel_loop3A_511, %parallel_loop3A_512], %parallel_loop3A_515 {strides = array<i32>} : memref<512x128xf32, #tpu.memory_space<vmem>>, vector<1x16xf32>,
      %parallel_loop3A_516 = arith.constant 64 : i32
      %parallel_loop3A_517 = arith.addi %parallel_loop3A_516, %parallel_loop3A_424 : i32
      %parallel_loop3A_518 = arith.index_cast %parallel_loop3A_517 : i32 to index
      %parallel_loop3A_519 = arith.constant 112 : index
      %parallel_loop3A_520 = tpu.vector_load %arg7[%parallel_loop3A_518, %parallel_loop3A_519] {strides = array<i32>} : memref<128x128xf32, #tpu.memory_space<vmem>>, vector<1x16xf32>,
      %parallel_loop3A_521 = vector.shape_cast %parallel_loop3A_520 : vector<1x16xf32> to vector<16xf32>
      %parallel_loop3A_522 = arith.constant 320 : i32
      %parallel_loop3A_523 = arith.addi %parallel_loop3A_522, %parallel_loop3A_424 : i32
      %parallel_loop3A_524 = arith.index_cast %parallel_loop3A_523 : i32 to index
      %parallel_loop3A_525 = arith.constant 112 : index
      %parallel_loop3A_526 = tpu.vector_load %arg8[%parallel_loop3A_524, %parallel_loop3A_525] {strides = array<i32>} : memref<512x128xf32, #tpu.memory_space<vmem>>, vector<1x16xf32>,
      %parallel_loop3A_527 = vector.shape_cast %parallel_loop3A_526 : vector<1x16xf32> to vector<16xf32>
      %parallel_loop3A_528 = vector.shape_cast %parallel_loop3A_521 : vector<16xf32> to vector<1x16xf32>
      tpu.vector_store %arg8[%parallel_loop3A_524, %parallel_loop3A_525], %parallel_loop3A_528 {strides = array<i32>} : memref<512x128xf32, #tpu.memory_space<vmem>>, vector<1x16xf32>,
    } {sc.loop_unroll_factor = 2 : i64, sc.parallel_access}
    %dma_start3A_81 = arith.constant 2 : i32
    %dma_start3A_82 = arith.constant 320 : i32
    %dma_start3A_83 = arith.constant 0 : i32
    %dma_start3A_84 = tpu.memref_slice %arg8[%dma_start3A_82, %dma_start3A_83] : memref<512x128xf32, #tpu.memory_space<vmem>> -> memref<64x128xf32, #tpu.memory_space<vmem>>
    %dma_start3A_85 = arith.constant 64 : i32
    %dma_start3A_86 = tpu.memref_slice %arg6[%dma_start3A_81, %dma_start3A_85] : memref<4x128xi32, #tpu.memory_space<vmem>> -> memref<1x64xi32, #tpu.memory_space<vmem>>
    %dma_start3A_87 = tpu.memref_squeeze %dma_start3A_86 : memref<1x64xi32, #tpu.memory_space<vmem>> -> memref<64xi32, #tpu.memory_space<vmem>>
    %dma_start3A_88 = arith.constant 0 : i32
    %dma_start3A_89 = arith.constant 0 : i32
    %dma_start3A_90 = tpu.memref_slice %arg3[%dma_start3A_88, %dma_start3A_89] : memref<100000x128xf32, #tpu.memory_space<hbm>> -> memref<100000x128xf32, #tpu.memory_space<hbm>>
    tpu.enqueue_indirect_dma source(%dma_start3A_90 : memref<100000x128xf32, #tpu.memory_space<hbm>>) target(%dma_start3A_84 : memref<64x128xf32, #tpu.memory_space<vmem>>) offsets(%dma_start3A_87 : memref<64xi32, #tpu.memory_space<vmem>>) semaphore(%arg17 : memref<!tpu.dma_semaphore, #tpu.memory_space<semaphore_mem>>) {add = true}
    %parallel_loop3A_91 = arith.constant 0 : i32
    %parallel_loop3A_92 = arith.constant 64 : i32
    %parallel_loop3A_93 = arith.constant 1 : i32
    scf.for %parallel_loop3A_424 = %parallel_loop3A_91 to %parallel_loop3A_92 step %parallel_loop3A_93  : i32 {
      %parallel_loop3A_425 = arith.constant 0 : i32
      %parallel_loop3A_426 = arith.addi %parallel_loop3A_425, %parallel_loop3A_424 : i32
      %parallel_loop3A_427 = arith.index_cast %parallel_loop3A_426 : i32 to index
      %parallel_loop3A_428 = arith.constant 0 : index
      %parallel_loop3A_429 = tpu.vector_load %arg7[%parallel_loop3A_427, %parallel_loop3A_428] {strides = array<i32>} : memref<128x128xf32, #tpu.memory_space<vmem>>, vector<1x16xf32>,
      %parallel_loop3A_430 = vector.shape_cast %parallel_loop3A_429 : vector<1x16xf32> to vector<16xf32>
      %parallel_loop3A_431 = arith.constant 384 : i32
      %parallel_loop3A_432 = arith.addi %parallel_loop3A_431, %parallel_loop3A_424 : i32
      %parallel_loop3A_433 = arith.index_cast %parallel_loop3A_432 : i32 to index
      %parallel_loop3A_434 = arith.constant 0 : index
      %parallel_loop3A_435 = tpu.vector_load %arg8[%parallel_loop3A_433, %parallel_loop3A_434] {strides = array<i32>} : memref<512x128xf32, #tpu.memory_space<vmem>>, vector<1x16xf32>,
      %parallel_loop3A_436 = vector.shape_cast %parallel_loop3A_435 : vector<1x16xf32> to vector<16xf32>
      %parallel_loop3A_437 = vector.shape_cast %parallel_loop3A_430 : vector<16xf32> to vector<1x16xf32>
      tpu.vector_store %arg8[%parallel_loop3A_433, %parallel_loop3A_434], %parallel_loop3A_437 {strides = array<i32>} : memref<512x128xf32, #tpu.memory_space<vmem>>, vector<1x16xf32>,
      %parallel_loop3A_438 = arith.constant 0 : i32
      %parallel_loop3A_439 = arith.addi %parallel_loop3A_438, %parallel_loop3A_424 : i32
      %parallel_loop3A_440 = arith.index_cast %parallel_loop3A_439 : i32 to index
      %parallel_loop3A_441 = arith.constant 16 : index
      %parallel_loop3A_442 = tpu.vector_load %arg7[%parallel_loop3A_440, %parallel_loop3A_441] {strides = array<i32>} : memref<128x128xf32, #tpu.memory_space<vmem>>, vector<1x16xf32>,
      %parallel_loop3A_443 = vector.shape_cast %parallel_loop3A_442 : vector<1x16xf32> to vector<16xf32>
      %parallel_loop3A_444 = arith.constant 384 : i32
      %parallel_loop3A_445 = arith.addi %parallel_loop3A_444, %parallel_loop3A_424 : i32
      %parallel_loop3A_446 = arith.index_cast %parallel_loop3A_445 : i32 to index
      %parallel_loop3A_447 = arith.constant 16 : index
      %parallel_loop3A_448 = tpu.vector_load %arg8[%parallel_loop3A_446, %parallel_loop3A_447] {strides = array<i32>} : memref<512x128xf32, #tpu.memory_space<vmem>>, vector<1x16xf32>,
      %parallel_loop3A_449 = vector.shape_cast %parallel_loop3A_448 : vector<1x16xf32> to vector<16xf32>
      %parallel_loop3A_450 = vector.shape_cast %parallel_loop3A_443 : vector<16xf32> to vector<1x16xf32>
      tpu.vector_store %arg8[%parallel_loop3A_446, %parallel_loop3A_447], %parallel_loop3A_450 {strides = array<i32>} : memref<512x128xf32, #tpu.memory_space<vmem>>, vector<1x16xf32>,
      %parallel_loop3A_451 = arith.constant 0 : i32
      %parallel_loop3A_452 = arith.addi %parallel_loop3A_451, %parallel_loop3A_424 : i32
      %parallel_loop3A_453 = arith.index_cast %parallel_loop3A_452 : i32 to index
      %parallel_loop3A_454 = arith.constant 32 : index
      %parallel_loop3A_455 = tpu.vector_load %arg7[%parallel_loop3A_453, %parallel_loop3A_454] {strides = array<i32>} : memref<128x128xf32, #tpu.memory_space<vmem>>, vector<1x16xf32>,
      %parallel_loop3A_456 = vector.shape_cast %parallel_loop3A_455 : vector<1x16xf32> to vector<16xf32>
      %parallel_loop3A_457 = arith.constant 384 : i32
      %parallel_loop3A_458 = arith.addi %parallel_loop3A_457, %parallel_loop3A_424 : i32
      %parallel_loop3A_459 = arith.index_cast %parallel_loop3A_458 : i32 to index
      %parallel_loop3A_460 = arith.constant 32 : index
      %parallel_loop3A_461 = tpu.vector_load %arg8[%parallel_loop3A_459, %parallel_loop3A_460] {strides = array<i32>} : memref<512x128xf32, #tpu.memory_space<vmem>>, vector<1x16xf32>,
      %parallel_loop3A_462 = vector.shape_cast %parallel_loop3A_461 : vector<1x16xf32> to vector<16xf32>
      %parallel_loop3A_463 = vector.shape_cast %parallel_loop3A_456 : vector<16xf32> to vector<1x16xf32>
      tpu.vector_store %arg8[%parallel_loop3A_459, %parallel_loop3A_460], %parallel_loop3A_463 {strides = array<i32>} : memref<512x128xf32, #tpu.memory_space<vmem>>, vector<1x16xf32>,
      %parallel_loop3A_464 = arith.constant 0 : i32
      %parallel_loop3A_465 = arith.addi %parallel_loop3A_464, %parallel_loop3A_424 : i32
      %parallel_loop3A_466 = arith.index_cast %parallel_loop3A_465 : i32 to index
      %parallel_loop3A_467 = arith.constant 48 : index
      %parallel_loop3A_468 = tpu.vector_load %arg7[%parallel_loop3A_466, %parallel_loop3A_467] {strides = array<i32>} : memref<128x128xf32, #tpu.memory_space<vmem>>, vector<1x16xf32>,
      %parallel_loop3A_469 = vector.shape_cast %parallel_loop3A_468 : vector<1x16xf32> to vector<16xf32>
      %parallel_loop3A_470 = arith.constant 384 : i32
      %parallel_loop3A_471 = arith.addi %parallel_loop3A_470, %parallel_loop3A_424 : i32
      %parallel_loop3A_472 = arith.index_cast %parallel_loop3A_471 : i32 to index
      %parallel_loop3A_473 = arith.constant 48 : index
      %parallel_loop3A_474 = tpu.vector_load %arg8[%parallel_loop3A_472, %parallel_loop3A_473] {strides = array<i32>} : memref<512x128xf32, #tpu.memory_space<vmem>>, vector<1x16xf32>,
      %parallel_loop3A_475 = vector.shape_cast %parallel_loop3A_474 : vector<1x16xf32> to vector<16xf32>
      %parallel_loop3A_476 = vector.shape_cast %parallel_loop3A_469 : vector<16xf32> to vector<1x16xf32>
      tpu.vector_store %arg8[%parallel_loop3A_472, %parallel_loop3A_473], %parallel_loop3A_476 {strides = array<i32>} : memref<512x128xf32, #tpu.memory_space<vmem>>, vector<1x16xf32>,
      %parallel_loop3A_477 = arith.constant 0 : i32
      %parallel_loop3A_478 = arith.addi %parallel_loop3A_477, %parallel_loop3A_424 : i32
      %parallel_loop3A_479 = arith.index_cast %parallel_loop3A_478 : i32 to index
      %parallel_loop3A_480 = arith.constant 64 : index
      %parallel_loop3A_481 = tpu.vector_load %arg7[%parallel_loop3A_479, %parallel_loop3A_480] {strides = array<i32>} : memref<128x128xf32, #tpu.memory_space<vmem>>, vector<1x16xf32>,
      %parallel_loop3A_482 = vector.shape_cast %parallel_loop3A_481 : vector<1x16xf32> to vector<16xf32>
      %parallel_loop3A_483 = arith.constant 384 : i32
      %parallel_loop3A_484 = arith.addi %parallel_loop3A_483, %parallel_loop3A_424 : i32
      %parallel_loop3A_485 = arith.index_cast %parallel_loop3A_484 : i32 to index
      %parallel_loop3A_486 = arith.constant 64 : index
      %parallel_loop3A_487 = tpu.vector_load %arg8[%parallel_loop3A_485, %parallel_loop3A_486] {strides = array<i32>} : memref<512x128xf32, #tpu.memory_space<vmem>>, vector<1x16xf32>,
      %parallel_loop3A_488 = vector.shape_cast %parallel_loop3A_487 : vector<1x16xf32> to vector<16xf32>
      %parallel_loop3A_489 = vector.shape_cast %parallel_loop3A_482 : vector<16xf32> to vector<1x16xf32>
      tpu.vector_store %arg8[%parallel_loop3A_485, %parallel_loop3A_486], %parallel_loop3A_489 {strides = array<i32>} : memref<512x128xf32, #tpu.memory_space<vmem>>, vector<1x16xf32>,
      %parallel_loop3A_490 = arith.constant 0 : i32
      %parallel_loop3A_491 = arith.addi %parallel_loop3A_490, %parallel_loop3A_424 : i32
      %parallel_loop3A_492 = arith.index_cast %parallel_loop3A_491 : i32 to index
      %parallel_loop3A_493 = arith.constant 80 : index
      %parallel_loop3A_494 = tpu.vector_load %arg7[%parallel_loop3A_492, %parallel_loop3A_493] {strides = array<i32>} : memref<128x128xf32, #tpu.memory_space<vmem>>, vector<1x16xf32>,
      %parallel_loop3A_495 = vector.shape_cast %parallel_loop3A_494 : vector<1x16xf32> to vector<16xf32>
      %parallel_loop3A_496 = arith.constant 384 : i32
      %parallel_loop3A_497 = arith.addi %parallel_loop3A_496, %parallel_loop3A_424 : i32
      %parallel_loop3A_498 = arith.index_cast %parallel_loop3A_497 : i32 to index
      %parallel_loop3A_499 = arith.constant 80 : index
      %parallel_loop3A_500 = tpu.vector_load %arg8[%parallel_loop3A_498, %parallel_loop3A_499] {strides = array<i32>} : memref<512x128xf32, #tpu.memory_space<vmem>>, vector<1x16xf32>,
      %parallel_loop3A_501 = vector.shape_cast %parallel_loop3A_500 : vector<1x16xf32> to vector<16xf32>
      %parallel_loop3A_502 = vector.shape_cast %parallel_loop3A_495 : vector<16xf32> to vector<1x16xf32>
      tpu.vector_store %arg8[%parallel_loop3A_498, %parallel_loop3A_499], %parallel_loop3A_502 {strides = array<i32>} : memref<512x128xf32, #tpu.memory_space<vmem>>, vector<1x16xf32>,
      %parallel_loop3A_503 = arith.constant 0 : i32
      %parallel_loop3A_504 = arith.addi %parallel_loop3A_503, %parallel_loop3A_424 : i32
      %parallel_loop3A_505 = arith.index_cast %parallel_loop3A_504 : i32 to index
      %parallel_loop3A_506 = arith.constant 96 : index
      %parallel_loop3A_507 = tpu.vector_load %arg7[%parallel_loop3A_505, %parallel_loop3A_506] {strides = array<i32>} : memref<128x128xf32, #tpu.memory_space<vmem>>, vector<1x16xf32>,
      %parallel_loop3A_508 = vector.shape_cast %parallel_loop3A_507 : vector<1x16xf32> to vector<16xf32>
      %parallel_loop3A_509 = arith.constant 384 : i32
      %parallel_loop3A_510 = arith.addi %parallel_loop3A_509, %parallel_loop3A_424 : i32
      %parallel_loop3A_511 = arith.index_cast %parallel_loop3A_510 : i32 to index
      %parallel_loop3A_512 = arith.constant 96 : index
      %parallel_loop3A_513 = tpu.vector_load %arg8[%parallel_loop3A_511, %parallel_loop3A_512] {strides = array<i32>} : memref<512x128xf32, #tpu.memory_space<vmem>>, vector<1x16xf32>,
      %parallel_loop3A_514 = vector.shape_cast %parallel_loop3A_513 : vector<1x16xf32> to vector<16xf32>
      %parallel_loop3A_515 = vector.shape_cast %parallel_loop3A_508 : vector<16xf32> to vector<1x16xf32>
      tpu.vector_store %arg8[%parallel_loop3A_511, %parallel_loop3A_512], %parallel_loop3A_515 {strides = array<i32>} : memref<512x128xf32, #tpu.memory_space<vmem>>, vector<1x16xf32>,
      %parallel_loop3A_516 = arith.constant 0 : i32
      %parallel_loop3A_517 = arith.addi %parallel_loop3A_516, %parallel_loop3A_424 : i32
      %parallel_loop3A_518 = arith.index_cast %parallel_loop3A_517 : i32 to index
      %parallel_loop3A_519 = arith.constant 112 : index
      %parallel_loop3A_520 = tpu.vector_load %arg7[%parallel_loop3A_518, %parallel_loop3A_519] {strides = array<i32>} : memref<128x128xf32, #tpu.memory_space<vmem>>, vector<1x16xf32>,
      %parallel_loop3A_521 = vector.shape_cast %parallel_loop3A_520 : vector<1x16xf32> to vector<16xf32>
      %parallel_loop3A_522 = arith.constant 384 : i32
      %parallel_loop3A_523 = arith.addi %parallel_loop3A_522, %parallel_loop3A_424 : i32
      %parallel_loop3A_524 = arith.index_cast %parallel_loop3A_523 : i32 to index
      %parallel_loop3A_525 = arith.constant 112 : index
      %parallel_loop3A_526 = tpu.vector_load %arg8[%parallel_loop3A_524, %parallel_loop3A_525] {strides = array<i32>} : memref<512x128xf32, #tpu.memory_space<vmem>>, vector<1x16xf32>,
      %parallel_loop3A_527 = vector.shape_cast %parallel_loop3A_526 : vector<1x16xf32> to vector<16xf32>
      %parallel_loop3A_528 = vector.shape_cast %parallel_loop3A_521 : vector<16xf32> to vector<1x16xf32>
      tpu.vector_store %arg8[%parallel_loop3A_524, %parallel_loop3A_525], %parallel_loop3A_528 {strides = array<i32>} : memref<512x128xf32, #tpu.memory_space<vmem>>, vector<1x16xf32>,
    } {sc.loop_unroll_factor = 2 : i64, sc.parallel_access}
    %dma_start3A_94 = arith.constant 3 : i32
    %dma_start3A_95 = arith.constant 384 : i32
    %dma_start3A_96 = arith.constant 0 : i32
    %dma_start3A_97 = tpu.memref_slice %arg8[%dma_start3A_95, %dma_start3A_96] : memref<512x128xf32, #tpu.memory_space<vmem>> -> memref<64x128xf32, #tpu.memory_space<vmem>>
    %dma_start3A_98 = arith.constant 0 : i32
    %dma_start3A_99 = tpu.memref_slice %arg6[%dma_start3A_94, %dma_start3A_98] : memref<4x128xi32, #tpu.memory_space<vmem>> -> memref<1x64xi32, #tpu.memory_space<vmem>>
    %dma_start3A_100 = tpu.memref_squeeze %dma_start3A_99 : memref<1x64xi32, #tpu.memory_space<vmem>> -> memref<64xi32, #tpu.memory_space<vmem>>
    %dma_start3A_101 = arith.constant 0 : i32
    %dma_start3A_102 = arith.constant 0 : i32
    %dma_start3A_103 = tpu.memref_slice %arg3[%dma_start3A_101, %dma_start3A_102] : memref<100000x128xf32, #tpu.memory_space<hbm>> -> memref<100000x128xf32, #tpu.memory_space<hbm>>
    tpu.enqueue_indirect_dma source(%dma_start3A_103 : memref<100000x128xf32, #tpu.memory_space<hbm>>) target(%dma_start3A_97 : memref<64x128xf32, #tpu.memory_space<vmem>>) offsets(%dma_start3A_100 : memref<64xi32, #tpu.memory_space<vmem>>) semaphore(%arg18 : memref<!tpu.dma_semaphore, #tpu.memory_space<semaphore_mem>>) {add = true}
    %parallel_loop3A_104 = arith.constant 0 : i32
    %parallel_loop3A_105 = arith.constant 64 : i32
    %parallel_loop3A_106 = arith.constant 1 : i32
    scf.for %parallel_loop3A_424 = %parallel_loop3A_104 to %parallel_loop3A_105 step %parallel_loop3A_106  : i32 {
      %parallel_loop3A_425 = arith.constant 64 : i32
      %parallel_loop3A_426 = arith.addi %parallel_loop3A_425, %parallel_loop3A_424 : i32
      %parallel_loop3A_427 = arith.index_cast %parallel_loop3A_426 : i32 to index
      %parallel_loop3A_428 = arith.constant 0 : index
      %parallel_loop3A_429 = tpu.vector_load %arg7[%parallel_loop3A_427, %parallel_loop3A_428] {strides = array<i32>} : memref<128x128xf32, #tpu.memory_space<vmem>>, vector<1x16xf32>,
      %parallel_loop3A_430 = vector.shape_cast %parallel_loop3A_429 : vector<1x16xf32> to vector<16xf32>
      %parallel_loop3A_431 = arith.constant 448 : i32
      %parallel_loop3A_432 = arith.addi %parallel_loop3A_431, %parallel_loop3A_424 : i32
      %parallel_loop3A_433 = arith.index_cast %parallel_loop3A_432 : i32 to index
      %parallel_loop3A_434 = arith.constant 0 : index
      %parallel_loop3A_435 = tpu.vector_load %arg8[%parallel_loop3A_433, %parallel_loop3A_434] {strides = array<i32>} : memref<512x128xf32, #tpu.memory_space<vmem>>, vector<1x16xf32>,
      %parallel_loop3A_436 = vector.shape_cast %parallel_loop3A_435 : vector<1x16xf32> to vector<16xf32>
      %parallel_loop3A_437 = vector.shape_cast %parallel_loop3A_430 : vector<16xf32> to vector<1x16xf32>
      tpu.vector_store %arg8[%parallel_loop3A_433, %parallel_loop3A_434], %parallel_loop3A_437 {strides = array<i32>} : memref<512x128xf32, #tpu.memory_space<vmem>>, vector<1x16xf32>,
      %parallel_loop3A_438 = arith.constant 64 : i32
      %parallel_loop3A_439 = arith.addi %parallel_loop3A_438, %parallel_loop3A_424 : i32
      %parallel_loop3A_440 = arith.index_cast %parallel_loop3A_439 : i32 to index
      %parallel_loop3A_441 = arith.constant 16 : index
      %parallel_loop3A_442 = tpu.vector_load %arg7[%parallel_loop3A_440, %parallel_loop3A_441] {strides = array<i32>} : memref<128x128xf32, #tpu.memory_space<vmem>>, vector<1x16xf32>,
      %parallel_loop3A_443 = vector.shape_cast %parallel_loop3A_442 : vector<1x16xf32> to vector<16xf32>
      %parallel_loop3A_444 = arith.constant 448 : i32
      %parallel_loop3A_445 = arith.addi %parallel_loop3A_444, %parallel_loop3A_424 : i32
      %parallel_loop3A_446 = arith.index_cast %parallel_loop3A_445 : i32 to index
      %parallel_loop3A_447 = arith.constant 16 : index
      %parallel_loop3A_448 = tpu.vector_load %arg8[%parallel_loop3A_446, %parallel_loop3A_447] {strides = array<i32>} : memref<512x128xf32, #tpu.memory_space<vmem>>, vector<1x16xf32>,
      %parallel_loop3A_449 = vector.shape_cast %parallel_loop3A_448 : vector<1x16xf32> to vector<16xf32>
      %parallel_loop3A_450 = vector.shape_cast %parallel_loop3A_443 : vector<16xf32> to vector<1x16xf32>
      tpu.vector_store %arg8[%parallel_loop3A_446, %parallel_loop3A_447], %parallel_loop3A_450 {strides = array<i32>} : memref<512x128xf32, #tpu.memory_space<vmem>>, vector<1x16xf32>,
      %parallel_loop3A_451 = arith.constant 64 : i32
      %parallel_loop3A_452 = arith.addi %parallel_loop3A_451, %parallel_loop3A_424 : i32
      %parallel_loop3A_453 = arith.index_cast %parallel_loop3A_452 : i32 to index
      %parallel_loop3A_454 = arith.constant 32 : index
      %parallel_loop3A_455 = tpu.vector_load %arg7[%parallel_loop3A_453, %parallel_loop3A_454] {strides = array<i32>} : memref<128x128xf32, #tpu.memory_space<vmem>>, vector<1x16xf32>,
      %parallel_loop3A_456 = vector.shape_cast %parallel_loop3A_455 : vector<1x16xf32> to vector<16xf32>
      %parallel_loop3A_457 = arith.constant 448 : i32
      %parallel_loop3A_458 = arith.addi %parallel_loop3A_457, %parallel_loop3A_424 : i32
      %parallel_loop3A_459 = arith.index_cast %parallel_loop3A_458 : i32 to index
      %parallel_loop3A_460 = arith.constant 32 : index
      %parallel_loop3A_461 = tpu.vector_load %arg8[%parallel_loop3A_459, %parallel_loop3A_460] {strides = array<i32>} : memref<512x128xf32, #tpu.memory_space<vmem>>, vector<1x16xf32>,
      %parallel_loop3A_462 = vector.shape_cast %parallel_loop3A_461 : vector<1x16xf32> to vector<16xf32>
      %parallel_loop3A_463 = vector.shape_cast %parallel_loop3A_456 : vector<16xf32> to vector<1x16xf32>
      tpu.vector_store %arg8[%parallel_loop3A_459, %parallel_loop3A_460], %parallel_loop3A_463 {strides = array<i32>} : memref<512x128xf32, #tpu.memory_space<vmem>>, vector<1x16xf32>,
      %parallel_loop3A_464 = arith.constant 64 : i32
      %parallel_loop3A_465 = arith.addi %parallel_loop3A_464, %parallel_loop3A_424 : i32
      %parallel_loop3A_466 = arith.index_cast %parallel_loop3A_465 : i32 to index
      %parallel_loop3A_467 = arith.constant 48 : index
      %parallel_loop3A_468 = tpu.vector_load %arg7[%parallel_loop3A_466, %parallel_loop3A_467] {strides = array<i32>} : memref<128x128xf32, #tpu.memory_space<vmem>>, vector<1x16xf32>,
      %parallel_loop3A_469 = vector.shape_cast %parallel_loop3A_468 : vector<1x16xf32> to vector<16xf32>
      %parallel_loop3A_470 = arith.constant 448 : i32
      %parallel_loop3A_471 = arith.addi %parallel_loop3A_470, %parallel_loop3A_424 : i32
      %parallel_loop3A_472 = arith.index_cast %parallel_loop3A_471 : i32 to index
      %parallel_loop3A_473 = arith.constant 48 : index
      %parallel_loop3A_474 = tpu.vector_load %arg8[%parallel_loop3A_472, %parallel_loop3A_473] {strides = array<i32>} : memref<512x128xf32, #tpu.memory_space<vmem>>, vector<1x16xf32>,
      %parallel_loop3A_475 = vector.shape_cast %parallel_loop3A_474 : vector<1x16xf32> to vector<16xf32>
      %parallel_loop3A_476 = vector.shape_cast %parallel_loop3A_469 : vector<16xf32> to vector<1x16xf32>
      tpu.vector_store %arg8[%parallel_loop3A_472, %parallel_loop3A_473], %parallel_loop3A_476 {strides = array<i32>} : memref<512x128xf32, #tpu.memory_space<vmem>>, vector<1x16xf32>,
      %parallel_loop3A_477 = arith.constant 64 : i32
      %parallel_loop3A_478 = arith.addi %parallel_loop3A_477, %parallel_loop3A_424 : i32
      %parallel_loop3A_479 = arith.index_cast %parallel_loop3A_478 : i32 to index
      %parallel_loop3A_480 = arith.constant 64 : index
      %parallel_loop3A_481 = tpu.vector_load %arg7[%parallel_loop3A_479, %parallel_loop3A_480] {strides = array<i32>} : memref<128x128xf32, #tpu.memory_space<vmem>>, vector<1x16xf32>,
      %parallel_loop3A_482 = vector.shape_cast %parallel_loop3A_481 : vector<1x16xf32> to vector<16xf32>
      %parallel_loop3A_483 = arith.constant 448 : i32
      %parallel_loop3A_484 = arith.addi %parallel_loop3A_483, %parallel_loop3A_424 : i32
      %parallel_loop3A_485 = arith.index_cast %parallel_loop3A_484 : i32 to index
      %parallel_loop3A_486 = arith.constant 64 : index
      %parallel_loop3A_487 = tpu.vector_load %arg8[%parallel_loop3A_485, %parallel_loop3A_486] {strides = array<i32>} : memref<512x128xf32, #tpu.memory_space<vmem>>, vector<1x16xf32>,
      %parallel_loop3A_488 = vector.shape_cast %parallel_loop3A_487 : vector<1x16xf32> to vector<16xf32>
      %parallel_loop3A_489 = vector.shape_cast %parallel_loop3A_482 : vector<16xf32> to vector<1x16xf32>
      tpu.vector_store %arg8[%parallel_loop3A_485, %parallel_loop3A_486], %parallel_loop3A_489 {strides = array<i32>} : memref<512x128xf32, #tpu.memory_space<vmem>>, vector<1x16xf32>,
      %parallel_loop3A_490 = arith.constant 64 : i32
      %parallel_loop3A_491 = arith.addi %parallel_loop3A_490, %parallel_loop3A_424 : i32
      %parallel_loop3A_492 = arith.index_cast %parallel_loop3A_491 : i32 to index
      %parallel_loop3A_493 = arith.constant 80 : index
      %parallel_loop3A_494 = tpu.vector_load %arg7[%parallel_loop3A_492, %parallel_loop3A_493] {strides = array<i32>} : memref<128x128xf32, #tpu.memory_space<vmem>>, vector<1x16xf32>,
      %parallel_loop3A_495 = vector.shape_cast %parallel_loop3A_494 : vector<1x16xf32> to vector<16xf32>
      %parallel_loop3A_496 = arith.constant 448 : i32
      %parallel_loop3A_497 = arith.addi %parallel_loop3A_496, %parallel_loop3A_424 : i32
      %parallel_loop3A_498 = arith.index_cast %parallel_loop3A_497 : i32 to index
      %parallel_loop3A_499 = arith.constant 80 : index
      %parallel_loop3A_500 = tpu.vector_load %arg8[%parallel_loop3A_498, %parallel_loop3A_499] {strides = array<i32>} : memref<512x128xf32, #tpu.memory_space<vmem>>, vector<1x16xf32>,
      %parallel_loop3A_501 = vector.shape_cast %parallel_loop3A_500 : vector<1x16xf32> to vector<16xf32>
      %parallel_loop3A_502 = vector.shape_cast %parallel_loop3A_495 : vector<16xf32> to vector<1x16xf32>
      tpu.vector_store %arg8[%parallel_loop3A_498, %parallel_loop3A_499], %parallel_loop3A_502 {strides = array<i32>} : memref<512x128xf32, #tpu.memory_space<vmem>>, vector<1x16xf32>,
      %parallel_loop3A_503 = arith.constant 64 : i32
      %parallel_loop3A_504 = arith.addi %parallel_loop3A_503, %parallel_loop3A_424 : i32
      %parallel_loop3A_505 = arith.index_cast %parallel_loop3A_504 : i32 to index
      %parallel_loop3A_506 = arith.constant 96 : index
      %parallel_loop3A_507 = tpu.vector_load %arg7[%parallel_loop3A_505, %parallel_loop3A_506] {strides = array<i32>} : memref<128x128xf32, #tpu.memory_space<vmem>>, vector<1x16xf32>,
      %parallel_loop3A_508 = vector.shape_cast %parallel_loop3A_507 : vector<1x16xf32> to vector<16xf32>
      %parallel_loop3A_509 = arith.constant 448 : i32
      %parallel_loop3A_510 = arith.addi %parallel_loop3A_509, %parallel_loop3A_424 : i32
      %parallel_loop3A_511 = arith.index_cast %parallel_loop3A_510 : i32 to index
      %parallel_loop3A_512 = arith.constant 96 : index
      %parallel_loop3A_513 = tpu.vector_load %arg8[%parallel_loop3A_511, %parallel_loop3A_512] {strides = array<i32>} : memref<512x128xf32, #tpu.memory_space<vmem>>, vector<1x16xf32>,
      %parallel_loop3A_514 = vector.shape_cast %parallel_loop3A_513 : vector<1x16xf32> to vector<16xf32>
      %parallel_loop3A_515 = vector.shape_cast %parallel_loop3A_508 : vector<16xf32> to vector<1x16xf32>
      tpu.vector_store %arg8[%parallel_loop3A_511, %parallel_loop3A_512], %parallel_loop3A_515 {strides = array<i32>} : memref<512x128xf32, #tpu.memory_space<vmem>>, vector<1x16xf32>,
      %parallel_loop3A_516 = arith.constant 64 : i32
      %parallel_loop3A_517 = arith.addi %parallel_loop3A_516, %parallel_loop3A_424 : i32
      %parallel_loop3A_518 = arith.index_cast %parallel_loop3A_517 : i32 to index
      %parallel_loop3A_519 = arith.constant 112 : index
      %parallel_loop3A_520 = tpu.vector_load %arg7[%parallel_loop3A_518, %parallel_loop3A_519] {strides = array<i32>} : memref<128x128xf32, #tpu.memory_space<vmem>>, vector<1x16xf32>,
      %parallel_loop3A_521 = vector.shape_cast %parallel_loop3A_520 : vector<1x16xf32> to vector<16xf32>
      %parallel_loop3A_522 = arith.constant 448 : i32
      %parallel_loop3A_523 = arith.addi %parallel_loop3A_522, %parallel_loop3A_424 : i32
      %parallel_loop3A_524 = arith.index_cast %parallel_loop3A_523 : i32 to index
      %parallel_loop3A_525 = arith.constant 112 : index
      %parallel_loop3A_526 = tpu.vector_load %arg8[%parallel_loop3A_524, %parallel_loop3A_525] {strides = array<i32>} : memref<512x128xf32, #tpu.memory_space<vmem>>, vector<1x16xf32>,
      %parallel_loop3A_527 = vector.shape_cast %parallel_loop3A_526 : vector<1x16xf32> to vector<16xf32>
      %parallel_loop3A_528 = vector.shape_cast %parallel_loop3A_521 : vector<16xf32> to vector<1x16xf32>
      tpu.vector_store %arg8[%parallel_loop3A_524, %parallel_loop3A_525], %parallel_loop3A_528 {strides = array<i32>} : memref<512x128xf32, #tpu.memory_space<vmem>>, vector<1x16xf32>,
    } {sc.loop_unroll_factor = 2 : i64, sc.parallel_access}
    %dma_start3A_107 = arith.constant 3 : i32
    %dma_start3A_108 = arith.constant 448 : i32
    %dma_start3A_109 = arith.constant 0 : i32
    %dma_start3A_110 = tpu.memref_slice %arg8[%dma_start3A_108, %dma_start3A_109] : memref<512x128xf32, #tpu.memory_space<vmem>> -> memref<64x128xf32, #tpu.memory_space<vmem>>
    %dma_start3A_111 = arith.constant 64 : i32
    %dma_start3A_112 = tpu.memref_slice %arg6[%dma_start3A_107, %dma_start3A_111] : memref<4x128xi32, #tpu.memory_space<vmem>> -> memref<1x64xi32, #tpu.memory_space<vmem>>
    %dma_start3A_113 = tpu.memref_squeeze %dma_start3A_112 : memref<1x64xi32, #tpu.memory_space<vmem>> -> memref<64xi32, #tpu.memory_space<vmem>>
    %dma_start3A_114 = arith.constant 0 : i32
    %dma_start3A_115 = arith.constant 0 : i32
    %dma_start3A_116 = tpu.memref_slice %arg3[%dma_start3A_114, %dma_start3A_115] : memref<100000x128xf32, #tpu.memory_space<hbm>> -> memref<100000x128xf32, #tpu.memory_space<hbm>>
    tpu.enqueue_indirect_dma source(%dma_start3A_116 : memref<100000x128xf32, #tpu.memory_space<hbm>>) target(%dma_start3A_110 : memref<64x128xf32, #tpu.memory_space<vmem>>) offsets(%dma_start3A_113 : memref<64xi32, #tpu.memory_space<vmem>>) semaphore(%arg19 : memref<!tpu.dma_semaphore, #tpu.memory_space<semaphore_mem>>) {add = true}
    %dma_wait3A_117 = arith.constant 0 : i32
    %dma_wait3A_118 = arith.constant 0 : i32
    %dma_wait3A_119 = arith.constant 0 : i32
    %dma_wait3A_120 = tpu.memref_slice %arg8[%dma_wait3A_118, %dma_wait3A_119] : memref<512x128xf32, #tpu.memory_space<vmem>> -> memref<64x128xf32, #tpu.memory_space<vmem>>
    %dma_wait3A_121 = arith.constant 0 : i32
    %dma_wait3A_122 = tpu.memref_slice %arg6[%dma_wait3A_117, %dma_wait3A_121] : memref<4x128xi32, #tpu.memory_space<vmem>> -> memref<1x64xi32, #tpu.memory_space<vmem>>
    %dma_wait3A_123 = tpu.memref_squeeze %dma_wait3A_122 : memref<1x64xi32, #tpu.memory_space<vmem>> -> memref<64xi32, #tpu.memory_space<vmem>>
    %dma_wait3A_124 = arith.constant 0 : i32
    %dma_wait3A_125 = arith.constant 0 : i32
    %dma_wait3A_126 = tpu.memref_slice %arg3[%dma_wait3A_124, %dma_wait3A_125] : memref<100000x128xf32, #tpu.memory_space<hbm>> -> memref<100000x128xf32, #tpu.memory_space<hbm>>
    tpu.wait_indirect_dma semaphore(%arg12 : memref<!tpu.dma_semaphore, #tpu.memory_space<semaphore_mem>>) src(%dma_wait3A_126 : memref<100000x128xf32, #tpu.memory_space<hbm>>) dst(%dma_wait3A_120 : memref<64x128xf32, #tpu.memory_space<vmem>>)
    %parallel_loop3A_127 = arith.constant 0 : i32
    %parallel_loop3A_128 = arith.constant 64 : i32
    %parallel_loop3A_129 = arith.constant 1 : i32
    scf.for %parallel_loop3A_424 = %parallel_loop3A_127 to %parallel_loop3A_128 step %parallel_loop3A_129  : i32 {
      %parallel_loop3A_425 = arith.index_cast %parallel_loop3A_424 : i32 to index
      %parallel_loop3A_426 = arith.constant 0 : index
      %parallel_loop3A_427 = tpu.vector_load %arg7[%parallel_loop3A_425, %parallel_loop3A_426] {strides = array<i32>} : memref<128x128xf32, #tpu.memory_space<vmem>>, vector<1x16xf32>,
      %parallel_loop3A_428 = vector.shape_cast %parallel_loop3A_427 : vector<1x16xf32> to vector<16xf32>
      %parallel_loop3A_429 = arith.index_cast %parallel_loop3A_424 : i32 to index
      %parallel_loop3A_430 = arith.constant 0 : index
      %parallel_loop3A_431 = tpu.vector_load %arg8[%parallel_loop3A_429, %parallel_loop3A_430] {strides = array<i32>} : memref<512x128xf32, #tpu.memory_space<vmem>>, vector<1x16xf32>,
      %parallel_loop3A_432 = vector.shape_cast %parallel_loop3A_431 : vector<1x16xf32> to vector<16xf32>
      %parallel_loop3A_433 = vector.shape_cast %parallel_loop3A_428 : vector<16xf32> to vector<1x16xf32>
      tpu.vector_store %arg8[%parallel_loop3A_429, %parallel_loop3A_430], %parallel_loop3A_433 {add = true, strides = array<i32>} : memref<512x128xf32, #tpu.memory_space<vmem>>, vector<1x16xf32>,
      %parallel_loop3A_434 = arith.index_cast %parallel_loop3A_424 : i32 to index
      %parallel_loop3A_435 = arith.constant 16 : index
      %parallel_loop3A_436 = tpu.vector_load %arg7[%parallel_loop3A_434, %parallel_loop3A_435] {strides = array<i32>} : memref<128x128xf32, #tpu.memory_space<vmem>>, vector<1x16xf32>,
      %parallel_loop3A_437 = vector.shape_cast %parallel_loop3A_436 : vector<1x16xf32> to vector<16xf32>
      %parallel_loop3A_438 = arith.index_cast %parallel_loop3A_424 : i32 to index
      %parallel_loop3A_439 = arith.constant 16 : index
      %parallel_loop3A_440 = tpu.vector_load %arg8[%parallel_loop3A_438, %parallel_loop3A_439] {strides = array<i32>} : memref<512x128xf32, #tpu.memory_space<vmem>>, vector<1x16xf32>,
      %parallel_loop3A_441 = vector.shape_cast %parallel_loop3A_440 : vector<1x16xf32> to vector<16xf32>
      %parallel_loop3A_442 = vector.shape_cast %parallel_loop3A_437 : vector<16xf32> to vector<1x16xf32>
      tpu.vector_store %arg8[%parallel_loop3A_438, %parallel_loop3A_439], %parallel_loop3A_442 {add = true, strides = array<i32>} : memref<512x128xf32, #tpu.memory_space<vmem>>, vector<1x16xf32>,
      %parallel_loop3A_443 = arith.index_cast %parallel_loop3A_424 : i32 to index
      %parallel_loop3A_444 = arith.constant 32 : index
      %parallel_loop3A_445 = tpu.vector_load %arg7[%parallel_loop3A_443, %parallel_loop3A_444] {strides = array<i32>} : memref<128x128xf32, #tpu.memory_space<vmem>>, vector<1x16xf32>,
      %parallel_loop3A_446 = vector.shape_cast %parallel_loop3A_445 : vector<1x16xf32> to vector<16xf32>
      %parallel_loop3A_447 = arith.index_cast %parallel_loop3A_424 : i32 to index
      %parallel_loop3A_448 = arith.constant 32 : index
      %parallel_loop3A_449 = tpu.vector_load %arg8[%parallel_loop3A_447, %parallel_loop3A_448] {strides = array<i32>} : memref<512x128xf32, #tpu.memory_space<vmem>>, vector<1x16xf32>,
      %parallel_loop3A_450 = vector.shape_cast %parallel_loop3A_449 : vector<1x16xf32> to vector<16xf32>
      %parallel_loop3A_451 = vector.shape_cast %parallel_loop3A_446 : vector<16xf32> to vector<1x16xf32>
      tpu.vector_store %arg8[%parallel_loop3A_447, %parallel_loop3A_448], %parallel_loop3A_451 {add = true, strides = array<i32>} : memref<512x128xf32, #tpu.memory_space<vmem>>, vector<1x16xf32>,
      %parallel_loop3A_452 = arith.index_cast %parallel_loop3A_424 : i32 to index
      %parallel_loop3A_453 = arith.constant 48 : index
      %parallel_loop3A_454 = tpu.vector_load %arg7[%parallel_loop3A_452, %parallel_loop3A_453] {strides = array<i32>} : memref<128x128xf32, #tpu.memory_space<vmem>>, vector<1x16xf32>,
      %parallel_loop3A_455 = vector.shape_cast %parallel_loop3A_454 : vector<1x16xf32> to vector<16xf32>
      %parallel_loop3A_456 = arith.index_cast %parallel_loop3A_424 : i32 to index
      %parallel_loop3A_457 = arith.constant 48 : index
      %parallel_loop3A_458 = tpu.vector_load %arg8[%parallel_loop3A_456, %parallel_loop3A_457] {strides = array<i32>} : memref<512x128xf32, #tpu.memory_space<vmem>>, vector<1x16xf32>,
      %parallel_loop3A_459 = vector.shape_cast %parallel_loop3A_458 : vector<1x16xf32> to vector<16xf32>
      %parallel_loop3A_460 = vector.shape_cast %parallel_loop3A_455 : vector<16xf32> to vector<1x16xf32>
      tpu.vector_store %arg8[%parallel_loop3A_456, %parallel_loop3A_457], %parallel_loop3A_460 {add = true, strides = array<i32>} : memref<512x128xf32, #tpu.memory_space<vmem>>, vector<1x16xf32>,
      %parallel_loop3A_461 = arith.index_cast %parallel_loop3A_424 : i32 to index
      %parallel_loop3A_462 = arith.constant 64 : index
      %parallel_loop3A_463 = tpu.vector_load %arg7[%parallel_loop3A_461, %parallel_loop3A_462] {strides = array<i32>} : memref<128x128xf32, #tpu.memory_space<vmem>>, vector<1x16xf32>,
      %parallel_loop3A_464 = vector.shape_cast %parallel_loop3A_463 : vector<1x16xf32> to vector<16xf32>
      %parallel_loop3A_465 = arith.index_cast %parallel_loop3A_424 : i32 to index
      %parallel_loop3A_466 = arith.constant 64 : index
      %parallel_loop3A_467 = tpu.vector_load %arg8[%parallel_loop3A_465, %parallel_loop3A_466] {strides = array<i32>} : memref<512x128xf32, #tpu.memory_space<vmem>>, vector<1x16xf32>,
      %parallel_loop3A_468 = vector.shape_cast %parallel_loop3A_467 : vector<1x16xf32> to vector<16xf32>
      %parallel_loop3A_469 = vector.shape_cast %parallel_loop3A_464 : vector<16xf32> to vector<1x16xf32>
      tpu.vector_store %arg8[%parallel_loop3A_465, %parallel_loop3A_466], %parallel_loop3A_469 {add = true, strides = array<i32>} : memref<512x128xf32, #tpu.memory_space<vmem>>, vector<1x16xf32>,
      %parallel_loop3A_470 = arith.index_cast %parallel_loop3A_424 : i32 to index
      %parallel_loop3A_471 = arith.constant 80 : index
      %parallel_loop3A_472 = tpu.vector_load %arg7[%parallel_loop3A_470, %parallel_loop3A_471] {strides = array<i32>} : memref<128x128xf32, #tpu.memory_space<vmem>>, vector<1x16xf32>,
      %parallel_loop3A_473 = vector.shape_cast %parallel_loop3A_472 : vector<1x16xf32> to vector<16xf32>
      %parallel_loop3A_474 = arith.index_cast %parallel_loop3A_424 : i32 to index
      %parallel_loop3A_475 = arith.constant 80 : index
      %parallel_loop3A_476 = tpu.vector_load %arg8[%parallel_loop3A_474, %parallel_loop3A_475] {strides = array<i32>} : memref<512x128xf32, #tpu.memory_space<vmem>>, vector<1x16xf32>,
      %parallel_loop3A_477 = vector.shape_cast %parallel_loop3A_476 : vector<1x16xf32> to vector<16xf32>
      %parallel_loop3A_478 = vector.shape_cast %parallel_loop3A_473 : vector<16xf32> to vector<1x16xf32>
      tpu.vector_store %arg8[%parallel_loop3A_474, %parallel_loop3A_475], %parallel_loop3A_478 {add = true, strides = array<i32>} : memref<512x128xf32, #tpu.memory_space<vmem>>, vector<1x16xf32>,
      %parallel_loop3A_479 = arith.index_cast %parallel_loop3A_424 : i32 to index
      %parallel_loop3A_480 = arith.constant 96 : index
      %parallel_loop3A_481 = tpu.vector_load %arg7[%parallel_loop3A_479, %parallel_loop3A_480] {strides = array<i32>} : memref<128x128xf32, #tpu.memory_space<vmem>>, vector<1x16xf32>,
      %parallel_loop3A_482 = vector.shape_cast %parallel_loop3A_481 : vector<1x16xf32> to vector<16xf32>
      %parallel_loop3A_483 = arith.index_cast %parallel_loop3A_424 : i32 to index
      %parallel_loop3A_484 = arith.constant 96 : index
      %parallel_loop3A_485 = tpu.vector_load %arg8[%parallel_loop3A_483, %parallel_loop3A_484] {strides = array<i32>} : memref<512x128xf32, #tpu.memory_space<vmem>>, vector<1x16xf32>,
      %parallel_loop3A_486 = vector.shape_cast %parallel_loop3A_485 : vector<1x16xf32> to vector<16xf32>
      %parallel_loop3A_487 = vector.shape_cast %parallel_loop3A_482 : vector<16xf32> to vector<1x16xf32>
      tpu.vector_store %arg8[%parallel_loop3A_483, %parallel_loop3A_484], %parallel_loop3A_487 {add = true, strides = array<i32>} : memref<512x128xf32, #tpu.memory_space<vmem>>, vector<1x16xf32>,
      %parallel_loop3A_488 = arith.index_cast %parallel_loop3A_424 : i32 to index
      %parallel_loop3A_489 = arith.constant 112 : index
      %parallel_loop3A_490 = tpu.vector_load %arg7[%parallel_loop3A_488, %parallel_loop3A_489] {strides = array<i32>} : memref<128x128xf32, #tpu.memory_space<vmem>>, vector<1x16xf32>,
      %parallel_loop3A_491 = vector.shape_cast %parallel_loop3A_490 : vector<1x16xf32> to vector<16xf32>
      %parallel_loop3A_492 = arith.index_cast %parallel_loop3A_424 : i32 to index
      %parallel_loop3A_493 = arith.constant 112 : index
      %parallel_loop3A_494 = tpu.vector_load %arg8[%parallel_loop3A_492, %parallel_loop3A_493] {strides = array<i32>} : memref<512x128xf32, #tpu.memory_space<vmem>>, vector<1x16xf32>,
      %parallel_loop3A_495 = vector.shape_cast %parallel_loop3A_494 : vector<1x16xf32> to vector<16xf32>
      %parallel_loop3A_496 = vector.shape_cast %parallel_loop3A_491 : vector<16xf32> to vector<1x16xf32>
      tpu.vector_store %arg8[%parallel_loop3A_492, %parallel_loop3A_493], %parallel_loop3A_496 {add = true, strides = array<i32>} : memref<512x128xf32, #tpu.memory_space<vmem>>, vector<1x16xf32>,
    } {sc.loop_unroll_factor = 2 : i64, sc.parallel_access}
    %add3A_130 = arith.constant 0 : i32
    %add3A_131 = arith.addi %mul3A_2, %add3A_130 : i32
    %dma_start3A_132 = arith.constant 0 : i32
    %dma_start3A_133 = arith.constant 0 : i32
    %dma_start3A_134 = arith.constant 0 : i32
    %dma_start3A_135 = tpu.memref_slice %arg8[%dma_start3A_133, %dma_start3A_134] : memref<512x128xf32, #tpu.memory_space<vmem>> -> memref<64x128xf32, #tpu.memory_space<vmem>>
    %dma_start3A_136 = arith.constant 0 : i32
    %dma_start3A_137 = tpu.memref_slice %arg5[%dma_start3A_132, %add3A_131, %dma_start3A_136] : memref<4x4096x128xf32, #tpu.memory_space<hbm>> -> memref<1x64x128xf32, #tpu.memory_space<hbm>>
    %dma_start3A_138 = tpu.memref_squeeze %dma_start3A_137 : memref<1x64x128xf32, #tpu.memory_space<hbm>> -> memref<64x128xf32, #tpu.memory_space<hbm>>
    %dma_start3A_139 = arith.constant 0 : i32
    %dma_start3A_140 = tpu.memref_slice %arg5[%dma_start3A_132, %add3A_131, %dma_start3A_139] : memref<4x4096x128xf32, #tpu.memory_space<hbm>> -> memref<1x64x128xf32, #tpu.memory_space<hbm>>
    %dma_start3A_141 = tpu.memref_squeeze %dma_start3A_140 : memref<1x64x128xf32, #tpu.memory_space<hbm>> -> memref<64x128xf32, #tpu.memory_space<hbm>>
    %dma_start3A_142 = arith.constant 0 : i32
    %dma_start3A_143 = arith.constant 0 : i32
    %dma_start3A_144 = tpu.memref_slice %arg8[%dma_start3A_142, %dma_start3A_143] : memref<512x128xf32, #tpu.memory_space<vmem>> -> memref<64x128xf32, #tpu.memory_space<vmem>>
    tpu.enqueue_dma source(%dma_start3A_144 : memref<64x128xf32, #tpu.memory_space<vmem>>) target(%dma_start3A_141 : memref<64x128xf32, #tpu.memory_space<hbm>>) target_semaphore(%arg11 : memref<!tpu.dma_semaphore, #tpu.memory_space<semaphore_mem>>)
    %dma_wait3A_145 = arith.constant 0 : i32
    %dma_wait3A_146 = arith.constant 64 : i32
    %dma_wait3A_147 = arith.constant 0 : i32
    %dma_wait3A_148 = tpu.memref_slice %arg8[%dma_wait3A_146, %dma_wait3A_147] : memref<512x128xf32, #tpu.memory_space<vmem>> -> memref<64x128xf32, #tpu.memory_space<vmem>>
    %dma_wait3A_149 = arith.constant 64 : i32
    %dma_wait3A_150 = tpu.memref_slice %arg6[%dma_wait3A_145, %dma_wait3A_149] : memref<4x128xi32, #tpu.memory_space<vmem>> -> memref<1x64xi32, #tpu.memory_space<vmem>>
    %dma_wait3A_151 = tpu.memref_squeeze %dma_wait3A_150 : memref<1x64xi32, #tpu.memory_space<vmem>> -> memref<64xi32, #tpu.memory_space<vmem>>
    %dma_wait3A_152 = arith.constant 0 : i32
    %dma_wait3A_153 = arith.constant 0 : i32
    %dma_wait3A_154 = tpu.memref_slice %arg3[%dma_wait3A_152, %dma_wait3A_153] : memref<100000x128xf32, #tpu.memory_space<hbm>> -> memref<100000x128xf32, #tpu.memory_space<hbm>>
    tpu.wait_indirect_dma semaphore(%arg13 : memref<!tpu.dma_semaphore, #tpu.memory_space<semaphore_mem>>) src(%dma_wait3A_154 : memref<100000x128xf32, #tpu.memory_space<hbm>>) dst(%dma_wait3A_148 : memref<64x128xf32, #tpu.memory_space<vmem>>)
    %add3A_155 = arith.constant 64 : i32
    %add3A_156 = arith.addi %mul3A_2, %add3A_155 : i32
    %dma_start3A_157 = arith.constant 0 : i32
    %dma_start3A_158 = arith.constant 64 : i32
    %dma_start3A_159 = arith.constant 0 : i32
    %dma_start3A_160 = tpu.memref_slice %arg8[%dma_start3A_158, %dma_start3A_159] : memref<512x128xf32, #tpu.memory_space<vmem>> -> memref<64x128xf32, #tpu.memory_space<vmem>>
    %dma_start3A_161 = arith.constant 0 : i32
    %dma_start3A_162 = tpu.memref_slice %arg5[%dma_start3A_157, %add3A_156, %dma_start3A_161] : memref<4x4096x128xf32, #tpu.memory_space<hbm>> -> memref<1x64x128xf32, #tpu.memory_space<hbm>>
    %dma_start3A_163 = tpu.memref_squeeze %dma_start3A_162 : memref<1x64x128xf32, #tpu.memory_space<hbm>> -> memref<64x128xf32, #tpu.memory_space<hbm>>
    %dma_start3A_164 = arith.constant 0 : i32
    %dma_start3A_165 = tpu.memref_slice %arg5[%dma_start3A_157, %add3A_156, %dma_start3A_164] : memref<4x4096x128xf32, #tpu.memory_space<hbm>> -> memref<1x64x128xf32, #tpu.memory_space<hbm>>
    %dma_start3A_166 = tpu.memref_squeeze %dma_start3A_165 : memref<1x64x128xf32, #tpu.memory_space<hbm>> -> memref<64x128xf32, #tpu.memory_space<hbm>>
    %dma_start3A_167 = arith.constant 64 : i32
    %dma_start3A_168 = arith.constant 0 : i32
    %dma_start3A_169 = tpu.memref_slice %arg8[%dma_start3A_167, %dma_start3A_168] : memref<512x128xf32, #tpu.memory_space<vmem>> -> memref<64x128xf32, #tpu.memory_space<vmem>>
    tpu.enqueue_dma source(%dma_start3A_169 : memref<64x128xf32, #tpu.memory_space<vmem>>) target(%dma_start3A_166 : memref<64x128xf32, #tpu.memory_space<hbm>>) target_semaphore(%arg11 : memref<!tpu.dma_semaphore, #tpu.memory_space<semaphore_mem>>)
    %dma_wait3A_170 = arith.constant 1 : i32
    %dma_wait3A_171 = arith.constant 128 : i32
    %dma_wait3A_172 = arith.constant 0 : i32
    %dma_wait3A_173 = tpu.memref_slice %arg8[%dma_wait3A_171, %dma_wait3A_172] : memref<512x128xf32, #tpu.memory_space<vmem>> -> memref<64x128xf32, #tpu.memory_space<vmem>>
    %dma_wait3A_174 = arith.constant 0 : i32
    %dma_wait3A_175 = tpu.memref_slice %arg6[%dma_wait3A_170, %dma_wait3A_174] : memref<4x128xi32, #tpu.memory_space<vmem>> -> memref<1x64xi32, #tpu.memory_space<vmem>>
    %dma_wait3A_176 = tpu.memref_squeeze %dma_wait3A_175 : memref<1x64xi32, #tpu.memory_space<vmem>> -> memref<64xi32, #tpu.memory_space<vmem>>
    %dma_wait3A_177 = arith.constant 0 : i32
    %dma_wait3A_178 = arith.constant 0 : i32
    %dma_wait3A_179 = tpu.memref_slice %arg3[%dma_wait3A_177, %dma_wait3A_178] : memref<100000x128xf32, #tpu.memory_space<hbm>> -> memref<100000x128xf32, #tpu.memory_space<hbm>>
    tpu.wait_indirect_dma semaphore(%arg14 : memref<!tpu.dma_semaphore, #tpu.memory_space<semaphore_mem>>) src(%dma_wait3A_179 : memref<100000x128xf32, #tpu.memory_space<hbm>>) dst(%dma_wait3A_173 : memref<64x128xf32, #tpu.memory_space<vmem>>)
    %add3A_180 = arith.constant 0 : i32
    %add3A_181 = arith.addi %mul3A_2, %add3A_180 : i32
    %dma_start3A_182 = arith.constant 1 : i32
    %dma_start3A_183 = arith.constant 128 : i32
    %dma_start3A_184 = arith.constant 0 : i32
    %dma_start3A_185 = tpu.memref_slice %arg8[%dma_start3A_183, %dma_start3A_184] : memref<512x128xf32, #tpu.memory_space<vmem>> -> memref<64x128xf32, #tpu.memory_space<vmem>>
    %dma_start3A_186 = arith.constant 0 : i32
    %dma_start3A_187 = tpu.memref_slice %arg5[%dma_start3A_182, %add3A_181, %dma_start3A_186] : memref<4x4096x128xf32, #tpu.memory_space<hbm>> -> memref<1x64x128xf32, #tpu.memory_space<hbm>>
    %dma_start3A_188 = tpu.memref_squeeze %dma_start3A_187 : memref<1x64x128xf32, #tpu.memory_space<hbm>> -> memref<64x128xf32, #tpu.memory_space<hbm>>
    %dma_start3A_189 = arith.constant 0 : i32
    %dma_start3A_190 = tpu.memref_slice %arg5[%dma_start3A_182, %add3A_181, %dma_start3A_189] : memref<4x4096x128xf32, #tpu.memory_space<hbm>> -> memref<1x64x128xf32, #tpu.memory_space<hbm>>
    %dma_start3A_191 = tpu.memref_squeeze %dma_start3A_190 : memref<1x64x128xf32, #tpu.memory_space<hbm>> -> memref<64x128xf32, #tpu.memory_space<hbm>>
    %dma_start3A_192 = arith.constant 128 : i32
    %dma_start3A_193 = arith.constant 0 : i32
    %dma_start3A_194 = tpu.memref_slice %arg8[%dma_start3A_192, %dma_start3A_193] : memref<512x128xf32, #tpu.memory_space<vmem>> -> memref<64x128xf32, #tpu.memory_space<vmem>>
    tpu.enqueue_dma source(%dma_start3A_194 : memref<64x128xf32, #tpu.memory_space<vmem>>) target(%dma_start3A_191 : memref<64x128xf32, #tpu.memory_space<hbm>>) target_semaphore(%arg11 : memref<!tpu.dma_semaphore, #tpu.memory_space<semaphore_mem>>)
    %dma_wait3A_195 = arith.constant 1 : i32
    %dma_wait3A_196 = arith.constant 192 : i32
    %dma_wait3A_197 = arith.constant 0 : i32
    %dma_wait3A_198 = tpu.memref_slice %arg8[%dma_wait3A_196, %dma_wait3A_197] : memref<512x128xf32, #tpu.memory_space<vmem>> -> memref<64x128xf32, #tpu.memory_space<vmem>>
    %dma_wait3A_199 = arith.constant 64 : i32
    %dma_wait3A_200 = tpu.memref_slice %arg6[%dma_wait3A_195, %dma_wait3A_199] : memref<4x128xi32, #tpu.memory_space<vmem>> -> memref<1x64xi32, #tpu.memory_space<vmem>>
    %dma_wait3A_201 = tpu.memref_squeeze %dma_wait3A_200 : memref<1x64xi32, #tpu.memory_space<vmem>> -> memref<64xi32, #tpu.memory_space<vmem>>
    %dma_wait3A_202 = arith.constant 0 : i32
    %dma_wait3A_203 = arith.constant 0 : i32
    %dma_wait3A_204 = tpu.memref_slice %arg3[%dma_wait3A_202, %dma_wait3A_203] : memref<100000x128xf32, #tpu.memory_space<hbm>> -> memref<100000x128xf32, #tpu.memory_space<hbm>>
    tpu.wait_indirect_dma semaphore(%arg15 : memref<!tpu.dma_semaphore, #tpu.memory_space<semaphore_mem>>) src(%dma_wait3A_204 : memref<100000x128xf32, #tpu.memory_space<hbm>>) dst(%dma_wait3A_198 : memref<64x128xf32, #tpu.memory_space<vmem>>)
    %add3A_205 = arith.constant 64 : i32
    %add3A_206 = arith.addi %mul3A_2, %add3A_205 : i32
    %dma_start3A_207 = arith.constant 1 : i32
    %dma_start3A_208 = arith.constant 192 : i32
    %dma_start3A_209 = arith.constant 0 : i32
    %dma_start3A_210 = tpu.memref_slice %arg8[%dma_start3A_208, %dma_start3A_209] : memref<512x128xf32, #tpu.memory_space<vmem>> -> memref<64x128xf32, #tpu.memory_space<vmem>>
    %dma_start3A_211 = arith.constant 0 : i32
    %dma_start3A_212 = tpu.memref_slice %arg5[%dma_start3A_207, %add3A_206, %dma_start3A_211] : memref<4x4096x128xf32, #tpu.memory_space<hbm>> -> memref<1x64x128xf32, #tpu.memory_space<hbm>>
    %dma_start3A_213 = tpu.memref_squeeze %dma_start3A_212 : memref<1x64x128xf32, #tpu.memory_space<hbm>> -> memref<64x128xf32, #tpu.memory_space<hbm>>
    %dma_start3A_214 = arith.constant 0 : i32
    %dma_start3A_215 = tpu.memref_slice %arg5[%dma_start3A_207, %add3A_206, %dma_start3A_214] : memref<4x4096x128xf32, #tpu.memory_space<hbm>> -> memref<1x64x128xf32, #tpu.memory_space<hbm>>
    %dma_start3A_216 = tpu.memref_squeeze %dma_start3A_215 : memref<1x64x128xf32, #tpu.memory_space<hbm>> -> memref<64x128xf32, #tpu.memory_space<hbm>>
    %dma_start3A_217 = arith.constant 192 : i32
    %dma_start3A_218 = arith.constant 0 : i32
    %dma_start3A_219 = tpu.memref_slice %arg8[%dma_start3A_217, %dma_start3A_218] : memref<512x128xf32, #tpu.memory_space<vmem>> -> memref<64x128xf32, #tpu.memory_space<vmem>>
    tpu.enqueue_dma source(%dma_start3A_219 : memref<64x128xf32, #tpu.memory_space<vmem>>) target(%dma_start3A_216 : memref<64x128xf32, #tpu.memory_space<hbm>>) target_semaphore(%arg11 : memref<!tpu.dma_semaphore, #tpu.memory_space<semaphore_mem>>)
    %dma_wait3A_220 = arith.constant 2 : i32
    %dma_wait3A_221 = arith.constant 256 : i32
    %dma_wait3A_222 = arith.constant 0 : i32
    %dma_wait3A_223 = tpu.memref_slice %arg8[%dma_wait3A_221, %dma_wait3A_222] : memref<512x128xf32, #tpu.memory_space<vmem>> -> memref<64x128xf32, #tpu.memory_space<vmem>>
    %dma_wait3A_224 = arith.constant 0 : i32
    %dma_wait3A_225 = tpu.memref_slice %arg6[%dma_wait3A_220, %dma_wait3A_224] : memref<4x128xi32, #tpu.memory_space<vmem>> -> memref<1x64xi32, #tpu.memory_space<vmem>>
    %dma_wait3A_226 = tpu.memref_squeeze %dma_wait3A_225 : memref<1x64xi32, #tpu.memory_space<vmem>> -> memref<64xi32, #tpu.memory_space<vmem>>
    %dma_wait3A_227 = arith.constant 0 : i32
    %dma_wait3A_228 = arith.constant 0 : i32
    %dma_wait3A_229 = tpu.memref_slice %arg3[%dma_wait3A_227, %dma_wait3A_228] : memref<100000x128xf32, #tpu.memory_space<hbm>> -> memref<100000x128xf32, #tpu.memory_space<hbm>>
    tpu.wait_indirect_dma semaphore(%arg16 : memref<!tpu.dma_semaphore, #tpu.memory_space<semaphore_mem>>) src(%dma_wait3A_229 : memref<100000x128xf32, #tpu.memory_space<hbm>>) dst(%dma_wait3A_223 : memref<64x128xf32, #tpu.memory_space<vmem>>)
    %add3A_230 = arith.constant 0 : i32
    %add3A_231 = arith.addi %mul3A_2, %add3A_230 : i32
    %dma_start3A_232 = arith.constant 2 : i32
    %dma_start3A_233 = arith.constant 256 : i32
    %dma_start3A_234 = arith.constant 0 : i32
    %dma_start3A_235 = tpu.memref_slice %arg8[%dma_start3A_233, %dma_start3A_234] : memref<512x128xf32, #tpu.memory_space<vmem>> -> memref<64x128xf32, #tpu.memory_space<vmem>>
    %dma_start3A_236 = arith.constant 0 : i32
    %dma_start3A_237 = tpu.memref_slice %arg5[%dma_start3A_232, %add3A_231, %dma_start3A_236] : memref<4x4096x128xf32, #tpu.memory_space<hbm>> -> memref<1x64x128xf32, #tpu.memory_space<hbm>>
    %dma_start3A_238 = tpu.memref_squeeze %dma_start3A_237 : memref<1x64x128xf32, #tpu.memory_space<hbm>> -> memref<64x128xf32, #tpu.memory_space<hbm>>
    %dma_start3A_239 = arith.constant 0 : i32
    %dma_start3A_240 = tpu.memref_slice %arg5[%dma_start3A_232, %add3A_231, %dma_start3A_239] : memref<4x4096x128xf32, #tpu.memory_space<hbm>> -> memref<1x64x128xf32, #tpu.memory_space<hbm>>
    %dma_start3A_241 = tpu.memref_squeeze %dma_start3A_240 : memref<1x64x128xf32, #tpu.memory_space<hbm>> -> memref<64x128xf32, #tpu.memory_space<hbm>>
    %dma_start3A_242 = arith.constant 256 : i32
    %dma_start3A_243 = arith.constant 0 : i32
    %dma_start3A_244 = tpu.memref_slice %arg8[%dma_start3A_242, %dma_start3A_243] : memref<512x128xf32, #tpu.memory_space<vmem>> -> memref<64x128xf32, #tpu.memory_space<vmem>>
    tpu.enqueue_dma source(%dma_start3A_244 : memref<64x128xf32, #tpu.memory_space<vmem>>) target(%dma_start3A_241 : memref<64x128xf32, #tpu.memory_space<hbm>>) target_semaphore(%arg11 : memref<!tpu.dma_semaphore, #tpu.memory_space<semaphore_mem>>)
    %dma_wait3A_245 = arith.constant 2 : i32
    %dma_wait3A_246 = arith.constant 320 : i32
    %dma_wait3A_247 = arith.constant 0 : i32
    %dma_wait3A_248 = tpu.memref_slice %arg8[%dma_wait3A_246, %dma_wait3A_247] : memref<512x128xf32, #tpu.memory_space<vmem>> -> memref<64x128xf32, #tpu.memory_space<vmem>>
    %dma_wait3A_249 = arith.constant 64 : i32
    %dma_wait3A_250 = tpu.memref_slice %arg6[%dma_wait3A_245, %dma_wait3A_249] : memref<4x128xi32, #tpu.memory_space<vmem>> -> memref<1x64xi32, #tpu.memory_space<vmem>>
    %dma_wait3A_251 = tpu.memref_squeeze %dma_wait3A_250 : memref<1x64xi32, #tpu.memory_space<vmem>> -> memref<64xi32, #tpu.memory_space<vmem>>
    %dma_wait3A_252 = arith.constant 0 : i32
    %dma_wait3A_253 = arith.constant 0 : i32
    %dma_wait3A_254 = tpu.memref_slice %arg3[%dma_wait3A_252, %dma_wait3A_253] : memref<100000x128xf32, #tpu.memory_space<hbm>> -> memref<100000x128xf32, #tpu.memory_space<hbm>>
    tpu.wait_indirect_dma semaphore(%arg17 : memref<!tpu.dma_semaphore, #tpu.memory_space<semaphore_mem>>) src(%dma_wait3A_254 : memref<100000x128xf32, #tpu.memory_space<hbm>>) dst(%dma_wait3A_248 : memref<64x128xf32, #tpu.memory_space<vmem>>)
    %add3A_255 = arith.constant 64 : i32
    %add3A_256 = arith.addi %mul3A_2, %add3A_255 : i32
    %dma_start3A_257 = arith.constant 2 : i32
    %dma_start3A_258 = arith.constant 320 : i32
    %dma_start3A_259 = arith.constant 0 : i32
    %dma_start3A_260 = tpu.memref_slice %arg8[%dma_start3A_258, %dma_start3A_259] : memref<512x128xf32, #tpu.memory_space<vmem>> -> memref<64x128xf32, #tpu.memory_space<vmem>>
    %dma_start3A_261 = arith.constant 0 : i32
    %dma_start3A_262 = tpu.memref_slice %arg5[%dma_start3A_257, %add3A_256, %dma_start3A_261] : memref<4x4096x128xf32, #tpu.memory_space<hbm>> -> memref<1x64x128xf32, #tpu.memory_space<hbm>>
    %dma_start3A_263 = tpu.memref_squeeze %dma_start3A_262 : memref<1x64x128xf32, #tpu.memory_space<hbm>> -> memref<64x128xf32, #tpu.memory_space<hbm>>
    %dma_start3A_264 = arith.constant 0 : i32
    %dma_start3A_265 = tpu.memref_slice %arg5[%dma_start3A_257, %add3A_256, %dma_start3A_264] : memref<4x4096x128xf32, #tpu.memory_space<hbm>> -> memref<1x64x128xf32, #tpu.memory_space<hbm>>
    %dma_start3A_266 = tpu.memref_squeeze %dma_start3A_265 : memref<1x64x128xf32, #tpu.memory_space<hbm>> -> memref<64x128xf32, #tpu.memory_space<hbm>>
    %dma_start3A_267 = arith.constant 320 : i32
    %dma_start3A_268 = arith.constant 0 : i32
    %dma_start3A_269 = tpu.memref_slice %arg8[%dma_start3A_267, %dma_start3A_268] : memref<512x128xf32, #tpu.memory_space<vmem>> -> memref<64x128xf32, #tpu.memory_space<vmem>>
    tpu.enqueue_dma source(%dma_start3A_269 : memref<64x128xf32, #tpu.memory_space<vmem>>) target(%dma_start3A_266 : memref<64x128xf32, #tpu.memory_space<hbm>>) target_semaphore(%arg11 : memref<!tpu.dma_semaphore, #tpu.memory_space<semaphore_mem>>)
    %dma_wait3A_270 = arith.constant 3 : i32
    %dma_wait3A_271 = arith.constant 384 : i32
    %dma_wait3A_272 = arith.constant 0 : i32
    %dma_wait3A_273 = tpu.memref_slice %arg8[%dma_wait3A_271, %dma_wait3A_272] : memref<512x128xf32, #tpu.memory_space<vmem>> -> memref<64x128xf32, #tpu.memory_space<vmem>>
    %dma_wait3A_274 = arith.constant 0 : i32
    %dma_wait3A_275 = tpu.memref_slice %arg6[%dma_wait3A_270, %dma_wait3A_274] : memref<4x128xi32, #tpu.memory_space<vmem>> -> memref<1x64xi32, #tpu.memory_space<vmem>>
    %dma_wait3A_276 = tpu.memref_squeeze %dma_wait3A_275 : memref<1x64xi32, #tpu.memory_space<vmem>> -> memref<64xi32, #tpu.memory_space<vmem>>
    %dma_wait3A_277 = arith.constant 0 : i32
    %dma_wait3A_278 = arith.constant 0 : i32
    %dma_wait3A_279 = tpu.memref_slice %arg3[%dma_wait3A_277, %dma_wait3A_278] : memref<100000x128xf32, #tpu.memory_space<hbm>> -> memref<100000x128xf32, #tpu.memory_space<hbm>>
    tpu.wait_indirect_dma semaphore(%arg18 : memref<!tpu.dma_semaphore, #tpu.memory_space<semaphore_mem>>) src(%dma_wait3A_279 : memref<100000x128xf32, #tpu.memory_space<hbm>>) dst(%dma_wait3A_273 : memref<64x128xf32, #tpu.memory_space<vmem>>)
    %add3A_280 = arith.constant 0 : i32
    %add3A_281 = arith.addi %mul3A_2, %add3A_280 : i32
    %dma_start3A_282 = arith.constant 3 : i32
    %dma_start3A_283 = arith.constant 384 : i32
    %dma_start3A_284 = arith.constant 0 : i32
    %dma_start3A_285 = tpu.memref_slice %arg8[%dma_start3A_283, %dma_start3A_284] : memref<512x128xf32, #tpu.memory_space<vmem>> -> memref<64x128xf32, #tpu.memory_space<vmem>>
    %dma_start3A_286 = arith.constant 0 : i32
    %dma_start3A_287 = tpu.memref_slice %arg5[%dma_start3A_282, %add3A_281, %dma_start3A_286] : memref<4x4096x128xf32, #tpu.memory_space<hbm>> -> memref<1x64x128xf32, #tpu.memory_space<hbm>>
    %dma_start3A_288 = tpu.memref_squeeze %dma_start3A_287 : memref<1x64x128xf32, #tpu.memory_space<hbm>> -> memref<64x128xf32, #tpu.memory_space<hbm>>
    %dma_start3A_289 = arith.constant 0 : i32
    %dma_start3A_290 = tpu.memref_slice %arg5[%dma_start3A_282, %add3A_281, %dma_start3A_289] : memref<4x4096x128xf32, #tpu.memory_space<hbm>> -> memref<1x64x128xf32, #tpu.memory_space<hbm>>
    %dma_start3A_291 = tpu.memref_squeeze %dma_start3A_290 : memref<1x64x128xf32, #tpu.memory_space<hbm>> -> memref<64x128xf32, #tpu.memory_space<hbm>>
    %dma_start3A_292 = arith.constant 384 : i32
    %dma_start3A_293 = arith.constant 0 : i32
    %dma_start3A_294 = tpu.memref_slice %arg8[%dma_start3A_292, %dma_start3A_293] : memref<512x128xf32, #tpu.memory_space<vmem>> -> memref<64x128xf32, #tpu.memory_space<vmem>>
    tpu.enqueue_dma source(%dma_start3A_294 : memref<64x128xf32, #tpu.memory_space<vmem>>) target(%dma_start3A_291 : memref<64x128xf32, #tpu.memory_space<hbm>>) target_semaphore(%arg11 : memref<!tpu.dma_semaphore, #tpu.memory_space<semaphore_mem>>)
    %dma_wait3A_295 = arith.constant 3 : i32
    %dma_wait3A_296 = arith.constant 448 : i32
    %dma_wait3A_297 = arith.constant 0 : i32
    %dma_wait3A_298 = tpu.memref_slice %arg8[%dma_wait3A_296, %dma_wait3A_297] : memref<512x128xf32, #tpu.memory_space<vmem>> -> memref<64x128xf32, #tpu.memory_space<vmem>>
    %dma_wait3A_299 = arith.constant 64 : i32
    %dma_wait3A_300 = tpu.memref_slice %arg6[%dma_wait3A_295, %dma_wait3A_299] : memref<4x128xi32, #tpu.memory_space<vmem>> -> memref<1x64xi32, #tpu.memory_space<vmem>>
    %dma_wait3A_301 = tpu.memref_squeeze %dma_wait3A_300 : memref<1x64xi32, #tpu.memory_space<vmem>> -> memref<64xi32, #tpu.memory_space<vmem>>
    %dma_wait3A_302 = arith.constant 0 : i32
    %dma_wait3A_303 = arith.constant 0 : i32
    %dma_wait3A_304 = tpu.memref_slice %arg3[%dma_wait3A_302, %dma_wait3A_303] : memref<100000x128xf32, #tpu.memory_space<hbm>> -> memref<100000x128xf32, #tpu.memory_space<hbm>>
    tpu.wait_indirect_dma semaphore(%arg19 : memref<!tpu.dma_semaphore, #tpu.memory_space<semaphore_mem>>) src(%dma_wait3A_304 : memref<100000x128xf32, #tpu.memory_space<hbm>>) dst(%dma_wait3A_298 : memref<64x128xf32, #tpu.memory_space<vmem>>)
    %add3A_305 = arith.constant 64 : i32
    %add3A_306 = arith.addi %mul3A_2, %add3A_305 : i32
    %dma_start3A_307 = arith.constant 3 : i32
    %dma_start3A_308 = arith.constant 448 : i32
    %dma_start3A_309 = arith.constant 0 : i32
    %dma_start3A_310 = tpu.memref_slice %arg8[%dma_start3A_308, %dma_start3A_309] : memref<512x128xf32, #tpu.memory_space<vmem>> -> memref<64x128xf32, #tpu.memory_space<vmem>>
    %dma_start3A_311 = arith.constant 0 : i32
    %dma_start3A_312 = tpu.memref_slice %arg5[%dma_start3A_307, %add3A_306, %dma_start3A_311] : memref<4x4096x128xf32, #tpu.memory_space<hbm>> -> memref<1x64x128xf32, #tpu.memory_space<hbm>>
    %dma_start3A_313 = tpu.memref_squeeze %dma_start3A_312 : memref<1x64x128xf32, #tpu.memory_space<hbm>> -> memref<64x128xf32, #tpu.memory_space<hbm>>
    %dma_start3A_314 = arith.constant 0 : i32
    %dma_start3A_315 = tpu.memref_slice %arg5[%dma_start3A_307, %add3A_306, %dma_start3A_314] : memref<4x4096x128xf32, #tpu.memory_space<hbm>> -> memref<1x64x128xf32, #tpu.memory_space<hbm>>
    %dma_start3A_316 = tpu.memref_squeeze %dma_start3A_315 : memref<1x64x128xf32, #tpu.memory_space<hbm>> -> memref<64x128xf32, #tpu.memory_space<hbm>>
    %dma_start3A_317 = arith.constant 448 : i32
    %dma_start3A_318 = arith.constant 0 : i32
    %dma_start3A_319 = tpu.memref_slice %arg8[%dma_start3A_317, %dma_start3A_318] : memref<512x128xf32, #tpu.memory_space<vmem>> -> memref<64x128xf32, #tpu.memory_space<vmem>>
    tpu.enqueue_dma source(%dma_start3A_319 : memref<64x128xf32, #tpu.memory_space<vmem>>) target(%dma_start3A_316 : memref<64x128xf32, #tpu.memory_space<hbm>>) target_semaphore(%arg11 : memref<!tpu.dma_semaphore, #tpu.memory_space<semaphore_mem>>)
    %dma_wait3A_320 = arith.constant 0 : i32
    %dma_wait3A_321 = arith.constant 0 : i32
    %dma_wait3A_322 = arith.constant 0 : i32
    %dma_wait3A_323 = tpu.memref_slice %arg8[%dma_wait3A_321, %dma_wait3A_322] : memref<512x128xf32, #tpu.memory_space<vmem>> -> memref<64x128xf32, #tpu.memory_space<vmem>>
    %dma_wait3A_324 = arith.constant 0 : i32
    %dma_wait3A_325 = tpu.memref_slice %arg5[%dma_wait3A_320, %add3A_131, %dma_wait3A_324] : memref<4x4096x128xf32, #tpu.memory_space<hbm>> -> memref<1x64x128xf32, #tpu.memory_space<hbm>>
    %dma_wait3A_326 = tpu.memref_squeeze %dma_wait3A_325 : memref<1x64x128xf32, #tpu.memory_space<hbm>> -> memref<64x128xf32, #tpu.memory_space<hbm>>
    %dma_wait3A_327 = arith.constant 0 : i32
    %dma_wait3A_328 = tpu.memref_slice %arg5[%dma_wait3A_320, %add3A_131, %dma_wait3A_327] : memref<4x4096x128xf32, #tpu.memory_space<hbm>> -> memref<1x64x128xf32, #tpu.memory_space<hbm>>
    %dma_wait3A_329 = tpu.memref_squeeze %dma_wait3A_328 : memref<1x64x128xf32, #tpu.memory_space<hbm>> -> memref<64x128xf32, #tpu.memory_space<hbm>>
    %dma_wait3A_330 = arith.constant 0 : i32
    %dma_wait3A_331 = arith.constant 0 : i32
    %dma_wait3A_332 = tpu.memref_slice %arg8[%dma_wait3A_330, %dma_wait3A_331] : memref<512x128xf32, #tpu.memory_space<vmem>> -> memref<64x128xf32, #tpu.memory_space<vmem>>
    tpu.wait_dma2 semaphore(%arg11 : memref<!tpu.dma_semaphore, #tpu.memory_space<semaphore_mem>>) src(%dma_wait3A_332 : memref<64x128xf32, #tpu.memory_space<vmem>>) dst(%dma_wait3A_329 : memref<64x128xf32, #tpu.memory_space<hbm>>)
    %dma_wait3A_333 = arith.constant 0 : i32
    %dma_wait3A_334 = arith.constant 64 : i32
    %dma_wait3A_335 = arith.constant 0 : i32
    %dma_wait3A_336 = tpu.memref_slice %arg8[%dma_wait3A_334, %dma_wait3A_335] : memref<512x128xf32, #tpu.memory_space<vmem>> -> memref<64x128xf32, #tpu.memory_space<vmem>>
    %dma_wait3A_337 = arith.constant 0 : i32
    %dma_wait3A_338 = tpu.memref_slice %arg5[%dma_wait3A_333, %add3A_156, %dma_wait3A_337] : memref<4x4096x128xf32, #tpu.memory_space<hbm>> -> memref<1x64x128xf32, #tpu.memory_space<hbm>>
    %dma_wait3A_339 = tpu.memref_squeeze %dma_wait3A_338 : memref<1x64x128xf32, #tpu.memory_space<hbm>> -> memref<64x128xf32, #tpu.memory_space<hbm>>
    %dma_wait3A_340 = arith.constant 0 : i32
    %dma_wait3A_341 = tpu.memref_slice %arg5[%dma_wait3A_333, %add3A_156, %dma_wait3A_340] : memref<4x4096x128xf32, #tpu.memory_space<hbm>> -> memref<1x64x128xf32, #tpu.memory_space<hbm>>
    %dma_wait3A_342 = tpu.memref_squeeze %dma_wait3A_341 : memref<1x64x128xf32, #tpu.memory_space<hbm>> -> memref<64x128xf32, #tpu.memory_space<hbm>>
    %dma_wait3A_343 = arith.constant 64 : i32
    %dma_wait3A_344 = arith.constant 0 : i32
    %dma_wait3A_345 = tpu.memref_slice %arg8[%dma_wait3A_343, %dma_wait3A_344] : memref<512x128xf32, #tpu.memory_space<vmem>> -> memref<64x128xf32, #tpu.memory_space<vmem>>
    tpu.wait_dma2 semaphore(%arg11 : memref<!tpu.dma_semaphore, #tpu.memory_space<semaphore_mem>>) src(%dma_wait3A_345 : memref<64x128xf32, #tpu.memory_space<vmem>>) dst(%dma_wait3A_342 : memref<64x128xf32, #tpu.memory_space<hbm>>)
    %dma_wait3A_346 = arith.constant 1 : i32
    %dma_wait3A_347 = arith.constant 128 : i32
    %dma_wait3A_348 = arith.constant 0 : i32
    %dma_wait3A_349 = tpu.memref_slice %arg8[%dma_wait3A_347, %dma_wait3A_348] : memref<512x128xf32, #tpu.memory_space<vmem>> -> memref<64x128xf32, #tpu.memory_space<vmem>>
    %dma_wait3A_350 = arith.constant 0 : i32
    %dma_wait3A_351 = tpu.memref_slice %arg5[%dma_wait3A_346, %add3A_181, %dma_wait3A_350] : memref<4x4096x128xf32, #tpu.memory_space<hbm>> -> memref<1x64x128xf32, #tpu.memory_space<hbm>>
    %dma_wait3A_352 = tpu.memref_squeeze %dma_wait3A_351 : memref<1x64x128xf32, #tpu.memory_space<hbm>> -> memref<64x128xf32, #tpu.memory_space<hbm>>
    %dma_wait3A_353 = arith.constant 0 : i32
    %dma_wait3A_354 = tpu.memref_slice %arg5[%dma_wait3A_346, %add3A_181, %dma_wait3A_353] : memref<4x4096x128xf32, #tpu.memory_space<hbm>> -> memref<1x64x128xf32, #tpu.memory_space<hbm>>
    %dma_wait3A_355 = tpu.memref_squeeze %dma_wait3A_354 : memref<1x64x128xf32, #tpu.memory_space<hbm>> -> memref<64x128xf32, #tpu.memory_space<hbm>>
    %dma_wait3A_356 = arith.constant 128 : i32
    %dma_wait3A_357 = arith.constant 0 : i32
    %dma_wait3A_358 = tpu.memref_slice %arg8[%dma_wait3A_356, %dma_wait3A_357] : memref<512x128xf32, #tpu.memory_space<vmem>> -> memref<64x128xf32, #tpu.memory_space<vmem>>
    tpu.wait_dma2 semaphore(%arg11 : memref<!tpu.dma_semaphore, #tpu.memory_space<semaphore_mem>>) src(%dma_wait3A_358 : memref<64x128xf32, #tpu.memory_space<vmem>>) dst(%dma_wait3A_355 : memref<64x128xf32, #tpu.memory_space<hbm>>)
    %dma_wait3A_359 = arith.constant 1 : i32
    %dma_wait3A_360 = arith.constant 192 : i32
    %dma_wait3A_361 = arith.constant 0 : i32
    %dma_wait3A_362 = tpu.memref_slice %arg8[%dma_wait3A_360, %dma_wait3A_361] : memref<512x128xf32, #tpu.memory_space<vmem>> -> memref<64x128xf32, #tpu.memory_space<vmem>>
    %dma_wait3A_363 = arith.constant 0 : i32
    %dma_wait3A_364 = tpu.memref_slice %arg5[%dma_wait3A_359, %add3A_206, %dma_wait3A_363] : memref<4x4096x128xf32, #tpu.memory_space<hbm>> -> memref<1x64x128xf32, #tpu.memory_space<hbm>>
    %dma_wait3A_365 = tpu.memref_squeeze %dma_wait3A_364 : memref<1x64x128xf32, #tpu.memory_space<hbm>> -> memref<64x128xf32, #tpu.memory_space<hbm>>
    %dma_wait3A_366 = arith.constant 0 : i32
    %dma_wait3A_367 = tpu.memref_slice %arg5[%dma_wait3A_359, %add3A_206, %dma_wait3A_366] : memref<4x4096x128xf32, #tpu.memory_space<hbm>> -> memref<1x64x128xf32, #tpu.memory_space<hbm>>
    %dma_wait3A_368 = tpu.memref_squeeze %dma_wait3A_367 : memref<1x64x128xf32, #tpu.memory_space<hbm>> -> memref<64x128xf32, #tpu.memory_space<hbm>>
    %dma_wait3A_369 = arith.constant 192 : i32
    %dma_wait3A_370 = arith.constant 0 : i32
    %dma_wait3A_371 = tpu.memref_slice %arg8[%dma_wait3A_369, %dma_wait3A_370] : memref<512x128xf32, #tpu.memory_space<vmem>> -> memref<64x128xf32, #tpu.memory_space<vmem>>
    tpu.wait_dma2 semaphore(%arg11 : memref<!tpu.dma_semaphore, #tpu.memory_space<semaphore_mem>>) src(%dma_wait3A_371 : memref<64x128xf32, #tpu.memory_space<vmem>>) dst(%dma_wait3A_368 : memref<64x128xf32, #tpu.memory_space<hbm>>)
    %dma_wait3A_372 = arith.constant 2 : i32
    %dma_wait3A_373 = arith.constant 256 : i32
    %dma_wait3A_374 = arith.constant 0 : i32
    %dma_wait3A_375 = tpu.memref_slice %arg8[%dma_wait3A_373, %dma_wait3A_374] : memref<512x128xf32, #tpu.memory_space<vmem>> -> memref<64x128xf32, #tpu.memory_space<vmem>>
    %dma_wait3A_376 = arith.constant 0 : i32
    %dma_wait3A_377 = tpu.memref_slice %arg5[%dma_wait3A_372, %add3A_231, %dma_wait3A_376] : memref<4x4096x128xf32, #tpu.memory_space<hbm>> -> memref<1x64x128xf32, #tpu.memory_space<hbm>>
    %dma_wait3A_378 = tpu.memref_squeeze %dma_wait3A_377 : memref<1x64x128xf32, #tpu.memory_space<hbm>> -> memref<64x128xf32, #tpu.memory_space<hbm>>
    %dma_wait3A_379 = arith.constant 0 : i32
    %dma_wait3A_380 = tpu.memref_slice %arg5[%dma_wait3A_372, %add3A_231, %dma_wait3A_379] : memref<4x4096x128xf32, #tpu.memory_space<hbm>> -> memref<1x64x128xf32, #tpu.memory_space<hbm>>
    %dma_wait3A_381 = tpu.memref_squeeze %dma_wait3A_380 : memref<1x64x128xf32, #tpu.memory_space<hbm>> -> memref<64x128xf32, #tpu.memory_space<hbm>>
    %dma_wait3A_382 = arith.constant 256 : i32
    %dma_wait3A_383 = arith.constant 0 : i32
    %dma_wait3A_384 = tpu.memref_slice %arg8[%dma_wait3A_382, %dma_wait3A_383] : memref<512x128xf32, #tpu.memory_space<vmem>> -> memref<64x128xf32, #tpu.memory_space<vmem>>
    tpu.wait_dma2 semaphore(%arg11 : memref<!tpu.dma_semaphore, #tpu.memory_space<semaphore_mem>>) src(%dma_wait3A_384 : memref<64x128xf32, #tpu.memory_space<vmem>>) dst(%dma_wait3A_381 : memref<64x128xf32, #tpu.memory_space<hbm>>)
    %dma_wait3A_385 = arith.constant 2 : i32
    %dma_wait3A_386 = arith.constant 320 : i32
    %dma_wait3A_387 = arith.constant 0 : i32
    %dma_wait3A_388 = tpu.memref_slice %arg8[%dma_wait3A_386, %dma_wait3A_387] : memref<512x128xf32, #tpu.memory_space<vmem>> -> memref<64x128xf32, #tpu.memory_space<vmem>>
    %dma_wait3A_389 = arith.constant 0 : i32
    %dma_wait3A_390 = tpu.memref_slice %arg5[%dma_wait3A_385, %add3A_256, %dma_wait3A_389] : memref<4x4096x128xf32, #tpu.memory_space<hbm>> -> memref<1x64x128xf32, #tpu.memory_space<hbm>>
    %dma_wait3A_391 = tpu.memref_squeeze %dma_wait3A_390 : memref<1x64x128xf32, #tpu.memory_space<hbm>> -> memref<64x128xf32, #tpu.memory_space<hbm>>
    %dma_wait3A_392 = arith.constant 0 : i32
    %dma_wait3A_393 = tpu.memref_slice %arg5[%dma_wait3A_385, %add3A_256, %dma_wait3A_392] : memref<4x4096x128xf32, #tpu.memory_space<hbm>> -> memref<1x64x128xf32, #tpu.memory_space<hbm>>
    %dma_wait3A_394 = tpu.memref_squeeze %dma_wait3A_393 : memref<1x64x128xf32, #tpu.memory_space<hbm>> -> memref<64x128xf32, #tpu.memory_space<hbm>>
    %dma_wait3A_395 = arith.constant 320 : i32
    %dma_wait3A_396 = arith.constant 0 : i32
    %dma_wait3A_397 = tpu.memref_slice %arg8[%dma_wait3A_395, %dma_wait3A_396] : memref<512x128xf32, #tpu.memory_space<vmem>> -> memref<64x128xf32, #tpu.memory_space<vmem>>
    tpu.wait_dma2 semaphore(%arg11 : memref<!tpu.dma_semaphore, #tpu.memory_space<semaphore_mem>>) src(%dma_wait3A_397 : memref<64x128xf32, #tpu.memory_space<vmem>>) dst(%dma_wait3A_394 : memref<64x128xf32, #tpu.memory_space<hbm>>)
    %dma_wait3A_398 = arith.constant 3 : i32
    %dma_wait3A_399 = arith.constant 384 : i32
    %dma_wait3A_400 = arith.constant 0 : i32
    %dma_wait3A_401 = tpu.memref_slice %arg8[%dma_wait3A_399, %dma_wait3A_400] : memref<512x128xf32, #tpu.memory_space<vmem>> -> memref<64x128xf32, #tpu.memory_space<vmem>>
    %dma_wait3A_402 = arith.constant 0 : i32
    %dma_wait3A_403 = tpu.memref_slice %arg5[%dma_wait3A_398, %add3A_281, %dma_wait3A_402] : memref<4x4096x128xf32, #tpu.memory_space<hbm>> -> memref<1x64x128xf32, #tpu.memory_space<hbm>>
    %dma_wait3A_404 = tpu.memref_squeeze %dma_wait3A_403 : memref<1x64x128xf32, #tpu.memory_space<hbm>> -> memref<64x128xf32, #tpu.memory_space<hbm>>
    %dma_wait3A_405 = arith.constant 0 : i32
    %dma_wait3A_406 = tpu.memref_slice %arg5[%dma_wait3A_398, %add3A_281, %dma_wait3A_405] : memref<4x4096x128xf32, #tpu.memory_space<hbm>> -> memref<1x64x128xf32, #tpu.memory_space<hbm>>
    %dma_wait3A_407 = tpu.memref_squeeze %dma_wait3A_406 : memref<1x64x128xf32, #tpu.memory_space<hbm>> -> memref<64x128xf32, #tpu.memory_space<hbm>>
    %dma_wait3A_408 = arith.constant 384 : i32
    %dma_wait3A_409 = arith.constant 0 : i32
    %dma_wait3A_410 = tpu.memref_slice %arg8[%dma_wait3A_408, %dma_wait3A_409] : memref<512x128xf32, #tpu.memory_space<vmem>> -> memref<64x128xf32, #tpu.memory_space<vmem>>
    tpu.wait_dma2 semaphore(%arg11 : memref<!tpu.dma_semaphore, #tpu.memory_space<semaphore_mem>>) src(%dma_wait3A_410 : memref<64x128xf32, #tpu.memory_space<vmem>>) dst(%dma_wait3A_407 : memref<64x128xf32, #tpu.memory_space<hbm>>)
    %dma_wait3A_411 = arith.constant 3 : i32
    %dma_wait3A_412 = arith.constant 448 : i32
    %dma_wait3A_413 = arith.constant 0 : i32
    %dma_wait3A_414 = tpu.memref_slice %arg8[%dma_wait3A_412, %dma_wait3A_413] : memref<512x128xf32, #tpu.memory_space<vmem>> -> memref<64x128xf32, #tpu.memory_space<vmem>>
    %dma_wait3A_415 = arith.constant 0 : i32
    %dma_wait3A_416 = tpu.memref_slice %arg5[%dma_wait3A_411, %add3A_306, %dma_wait3A_415] : memref<4x4096x128xf32, #tpu.memory_space<hbm>> -> memref<1x64x128xf32, #tpu.memory_space<hbm>>
    %dma_wait3A_417 = tpu.memref_squeeze %dma_wait3A_416 : memref<1x64x128xf32, #tpu.memory_space<hbm>> -> memref<64x128xf32, #tpu.memory_space<hbm>>
    %dma_wait3A_418 = arith.constant 0 : i32
    %dma_wait3A_419 = tpu.memref_slice %arg5[%dma_wait3A_411, %add3A_306, %dma_wait3A_418] : memref<4x4096x128xf32, #tpu.memory_space<hbm>> -> memref<1x64x128xf32, #tpu.memory_space<hbm>>
    %dma_wait3A_420 = tpu.memref_squeeze %dma_wait3A_419 : memref<1x64x128xf32, #tpu.memory_space<hbm>> -> memref<64x128xf32, #tpu.memory_space<hbm>>
    %dma_wait3A_421 = arith.constant 448 : i32
    %dma_wait3A_422 = arith.constant 0 : i32
    %dma_wait3A_423 = tpu.memref_slice %arg8[%dma_wait3A_421, %dma_wait3A_422] : memref<512x128xf32, #tpu.memory_space<vmem>> -> memref<64x128xf32, #tpu.memory_space<vmem>>
    tpu.wait_dma2 semaphore(%arg11 : memref<!tpu.dma_semaphore, #tpu.memory_space<semaphore_mem>>) src(%dma_wait3A_423 : memref<64x128xf32, #tpu.memory_space<vmem>>) dst(%dma_wait3A_420 : memref<64x128xf32, #tpu.memory_space<hbm>>)
    return
  }
}

</mosaic_0001>

<sc_bundles>
// kernel: kernel.3.cloned.1.call-start
scs
__scs_entry_jumppad:
0x0: {  	(pc) =	sbr.rel $0x88, $3  }
0x1: {  	(tag) =	ssettag $0x0;
	lr =	simm.s32 $0x1  }
0x2: {  	[smem:$0x3F9E] =	sst lr;
	_ =	strace $0xD0000000  }
0x3: {  	_ = 	snop  }
0x4: {  	_ = 	snop  }
0x5: {  	_ = 	snop  }
0x6: {  	_ = 	snop  }
0x7: {  	_ = 	snop  }
__scs_overlays_trampoline_lowered:
0x8: {  	[smem:$0x3FAD] =	sst s0  }
0x9: {  	[smem:$0x3FAE] =	sst s1  }
0xa: {  	[smem:$0x3FAF] =	sst s2  }
0xb: {  	[smem:$0x3FB0] =	sst s3  }
0xc: {  	[smem:$0x3FB1] =	sst s4  }
0xd: {  	[smem:$0x3FB2] =	sst s5  }
0xe: {  	[smem:$0x3FB3] =	sst s6  }
0xf: {  	[smem:$0x3FB4] =	sst s7  }
0x10: {  	[smem:$0x3FB5] =	sst s8  }
0x11: {  	[smem:$0x3FB6] =	sst s9;
	s0 =	simm.s32 @!p0 $0x0  }
0x12: {  	s1 =	sld [smem:$0x3F9C];
	s0 =	simm.s32 @p0 $0x1  }
0x13: {  	[smem:$0x3FB7] =	sst s0;
	s0 =	simm.s32 @!p1 $0x0  }
0x14: {  	s2 =	sld [smem:$0x3F9B];
	s0 =	simm.s32 @p1 $0x1  }
0x15: {  	[smem:$0x3FB8] =	sst s0;
	s0 =	simm.s32 @!p2 $0x0  }
0x16: {  	s3 =	sld [smem:$0x3FDB];
	s0 =	simm.s32 @p2 $0x1  }
0x17: {  	s4 =	simm.s32 $0x1BF5;
	[smem:$0x3FBA] =	sst s0  }
0x18: {  	s0 =	sld [smem:$0x3F9D];
	_ =	swait.ge [sflag:s4], $0x0  }
0x19: {  	s7 =	sld [smem:$0x3F9E]  }
0x1a: {  	s8 =	sadd.s32 $0xFFFFE003, lr  }
0x1b: {  	s9 =	sadd.s32 $0xFFFFFEF7, lr;
	s5 =	simm.s32 $0xFFFFFFFF;
	p2 =	slt.u32 s8, $0xFFFFF086  }
0x1c: {  	p1 =	slt.u32 s9, $0xF7A;
	s5 =	simm.s32 @!p2 $0x0  }
0x1d: {  	s5 =	simm.s32 @p1 $0x1;
	p0 =	seq.s32 s7, s2  }
0x1e: {  	s7 =	smul.u32 @!p0 $0xF7A, s2;
	p2 =	seq.s32 @!p0 s5, $0x0  }
0x1f: {  	s9 =	smul.u32 $0xF7A, s1;
	s8 =	simm.s32 @!p0 $0x1BF5;
	p2 =	por !p2, p0  }
0x20: {  	[sflag:s8] =	ssyncset.s32 @!p0 $0xFFFFF086;
	s6 =	sadd.s32 @!p0 s3, s7;
	s7 =	simm.s32 @!p0 $0x108  }
0x21: {  	s3 =	sadd.s32 s3, s9;
	s6 =	sadd.s32 @!p0 $0x88, s6;
	s7 =	simm.s32 @p2 $0x1082  }
0x22: {  	[simem:s7], [sflag:s8] =	dma.local @!p0 [hbm:s6], $0xF7A  }
0x23: {  	s9 =	sor.u32 $0xD0000000, s2;
	s6 =	simm.s32 $0x108;
	_ =	swait.ge @!p0 [sflag:s8], $0x0  }
0x24: {  	s3 =	sadd.s32 $0x88, s3;
	s6 =	simm.s32 @!p1 $0x1082;
	[sflag:s4] =	ssyncset.s32 $0xFFFFF086  }
0x25: {  	[simem:s6], [sflag:s4] =	dma.local [hbm:s3], $0xF7A  }
0x26: {  	[smem:$0x3F9E] =	sst s1;
	(tag) =	ssettag s2;
	_ =	strace s9  }
0x27: {  	s1 =	sld [smem:$0x3FAE]  }
0x28: {  	s2 =	sld [smem:$0x3FAF]  }
0x29: {  	s4 =	sld [smem:$0x3FB1]  }
0x2a: {  	p0 =	seq.s32 s5, $0x0;
	s5 =	sld [smem:$0x3FB2]  }
0x2b: {  	s6 =	sld [smem:$0x3FB3]  }
0x2c: {  	s7 =	sld [smem:$0x3FB4]  }
0x2d: {  	s3 =	simm.s32 $0x108;
	s8 =	sld [smem:$0x3FB5]  }
0x2e: {  	s3 =	simm.s32 @!p0 $0x1082;
	s9 =	sld [smem:$0x3FB6]  }
0x2f: {  	lr =	sadd.s32 s0, s3;
	s0 =	sld [smem:$0x3FAD]  }
0x30: {  	s3 =	sld [smem:$0x3FB0]  }
0x31: {  	[smem:$0x3FB9] =	sst s10  }
0x32: {  	s10 =	sld [smem:$0x3FB7];
	_ =	sdelay $0x3  }
0x33: {  	p0 =	seq.s32 s10, $0x1;
	s10 =	sld [smem:$0x3FB9];
	_ =	sdelay $0x3  }
0x34: {  	[smem:$0x3FB9] =	sst s10  }
0x35: {  	s10 =	sld [smem:$0x3FB8];
	_ =	sdelay $0x3  }
0x36: {  	p1 =	seq.s32 s10, $0x1;
	s10 =	sld [smem:$0x3FB9];
	_ =	sdelay $0x3  }
0x37: {  	[smem:$0x3FB9] =	sst s10  }
0x38: {  	s10 =	sld [smem:$0x3FBA]  }
0x39: {  	_ = 	snop;
	(pc) =	sbr.ind lr, $3  }
0x3a: {  	_ = 	snop  }
0x3b: {  	_ = 	snop  }
0x3c: {  	p2 =	seq.s32 s10, $0x1;
	s10 =	sld [smem:$0x3FB9]  }
0x3d: {  	_ =	shalt  }
0x3e: {  	_ =	shalt  }
0x3f: {  	_ =	shalt  }
0x40: {  	_ =	shalt  }
0x41: {  	_ =	shalt  }
0x42: {  	_ =	shalt  }
0x43: {  	_ =	shalt  }
0x44: {  	_ =	shalt  }
0x45: {  	_ =	shalt  }
0x46: {  	_ =	shalt  }
0x47: {  	_ =	shalt  }
0x48: {  	_ =	shalt  }
0x49: {  	_ =	shalt  }
0x4a: {  	_ =	shalt  }
0x4b: {  	_ =	shalt  }
0x4c: {  	_ =	shalt  }
0x4d: {  	_ =	shalt  }
0x4e: {  	_ =	shalt  }
0x4f: {  	_ =	shalt  }
0x50: {  	_ =	shalt  }
0x51: {  	_ =	shalt  }
0x52: {  	_ =	shalt  }
0x53: {  	_ =	shalt  }
0x54: {  	_ =	shalt  }
0x55: {  	_ =	shalt  }
0x56: {  	_ =	shalt  }
0x57: {  	_ =	shalt  }
0x58: {  	_ =	shalt  }
0x59: {  	_ =	shalt  }
0x5a: {  	_ =	shalt  }
0x5b: {  	_ =	shalt  }
0x5c: {  	_ =	shalt  }
0x5d: {  	_ =	shalt  }
0x5e: {  	_ =	shalt  }
0x5f: {  	_ =	shalt  }
0x60: {  	_ =	shalt  }
0x61: {  	_ =	shalt  }
0x62: {  	_ =	shalt  }
0x63: {  	_ =	shalt  }
0x64: {  	_ =	shalt  }
0x65: {  	_ =	shalt  }
0x66: {  	_ =	shalt  }
0x67: {  	_ =	shalt  }
0x68: {  	_ =	shalt  }
0x69: {  	_ =	shalt  }
0x6a: {  	_ =	shalt  }
0x6b: {  	_ =	shalt  }
0x6c: {  	_ =	shalt  }
0x6d: {  	_ =	shalt  }
0x6e: {  	_ =	shalt  }
0x6f: {  	_ =	shalt  }
0x70: {  	_ =	shalt  }
0x71: {  	_ =	shalt  }
0x72: {  	_ =	shalt  }
0x73: {  	_ =	shalt  }
0x74: {  	_ =	shalt  }
0x75: {  	_ =	shalt  }
0x76: {  	_ =	shalt  }
0x77: {  	_ =	shalt  }
0x78: {  	_ =	shalt  }
0x79: {  	_ =	shalt  }
0x7a: {  	_ =	shalt  }
0x7b: {  	_ =	shalt  }
0x7c: {  	_ =	shalt  }
0x7d: {  	_ =	shalt  }
0x7e: {  	_ =	shalt  }
0x7f: {  	_ =	shalt  }
0x80: {  	_ =	shalt  }
0x81: {  	_ =	shalt  }
0x82: {  	_ =	shalt  }
0x83: {  	_ =	shalt  }
0x84: {  	_ =	shalt  }
0x85: {  	_ =	shalt  }
0x86: {  	_ =	shalt  }
0x87: {  	_ =	shalt  }
.Lfunc_end0:
.L_simem_size_0:
called_computation_lowered:
.L_overlay_start_0:
0x88: {  	s2 =	sld [smem:$0x3FD9]  }
0x89: {  	s3 =	sld [smem:$0x3FFE];
	_ =	sdelay $0x1  }
0x8a: {  	s1 =	srdreg.scid  }
0x8b: {  	s0 =	sand.u32 $0x1, s1  }
0x8c: {  	s18 =	sshll.u32 s0, $0xA;
	s2 =	sadd.s32 s3, s2  }
0x8d: {  	s2 =	sadd.s32 s2, s18  }
0x8e: {  	[smem:$0x3FC5] =	sst s2  }
0x8f: {  	_ = 	snop  }
0x90: {  	s2 =	sld [smem:$0x3FC9]  }
0x91: {  	s19 =	sld [smem:$0x3FC8]  }
0x92: {  	s4 =	sld [smem:$0x3FC7]  }
0x93: {  	s5 =	sld [smem:$0x3FD0];
	(tm) =	ssettm $0x1  }
0x94: {  	s6 =	sld [smem:$0x3FFB];
	_ =	sdelay $0x3  }
0x95: {  	_ =	strace s6  }
0x96: {  	s6 =	sld [smem:$0x3FFC];
	_ =	sdelay $0x3  }
0x97: {  	_ =	strace s6  }
0x98: {  	s6 =	sld [smem:$0x3FFD];
	_ =	sdelay $0x3  }
0x99: {  	_ =	strace s6  }
0x9a: {  	_ =	strace $0x8FFFFFFF  }
0x9b: {  	s20 =	sld [smem:$0x3FDB];
	_ =	sdelay $0x1  }
0x9c: {  	s7 =	simm.s32 $_scs_section_size  }
0x9d: {  	s8 =	simm.s32 $_size__tile_overlayer_lowered;
	s9 =	simm.s32 $_tile_overlayer_lowered  }
0x9e: {  	s23 =	simm.s32 $0x1BFF;
	s22 =	sshll.u32 s9, $0x1;
	s6 =	sadd.s32 s7, s20  }
0x9f: {  	s10 =	simm.s32 $0x0;
	s21 =	sshll.u32 s8, $0x1;
	s8 =	sadd.s32 s22, s6  }
0xa0: {  	[timem:s10], [sflag:s23] =	dma.local [hbm:s8], s21  }
0xa1: {  	_ =	swait.ge [sflag:s23], s21  }
0xa2: {  	s7 =	ssub.s32 $0x0, s21;
	[sflag:s23] =	ssyncset.done $0x0  }
0xa3: {  	[sflag:s23] =	ssyncadd.s32 s7;
	_ =	sdelay $0x1  }
0xa4: {  	s24 =	simm.s32 $0x1B8B  }
0xa5: {  	_ =	swait.ge [sflag:s24], $0x1  }
0xa6: {  	[sflag:s24] =	ssyncset.done $0x0  }
0xa7: {  	s25 =	simm.s32 $0x1B8E;
	[sflag:s24] =	ssyncadd.s32 $0xFFFFFFFF  }
0xa8: {  	s26 =	simm.s32 $execute0_lowered;
	[smem:$0x3FD2] =	sst s25  }
0xa9: {  	s7 =	sshll.u32 s26, $0x1;
	_ =	strace $0x80000046;
	[dreg:$0x1] =	wrdreg $0xFFFFFFFF  }
0xaa: {  	s28 =	simm.s32 $_size_execute0_lowered;
	s6 =	sadd.s32 s6, s7;
	[dreg:$0x0] =	wrdreg $0x0  }
0xab: {  	s7 =	sshll.u32 s28, $0x1;
	[dreg:$0x2] =	wrdreg s6  }
0xac: {  	[dreg:$0x3] =	wrdreg s7  }
0xad: {  	[dreg:$0x4] =	wrdreg $0xC0  }
0xae: {  	_ =	task [dreg:s10], $0x5FFFF  }
0xaf: {  	[dreg:$0x1] =	wrdreg $0xFFFFFFFF  }
0xb0: {  	[dreg:$0x0] =	wrdreg $0x60  }
0xb1: {  	[dreg:$0x2] =	wrdreg s2  }
0xb2: {  	[dreg:$0x3] =	wrdreg s19  }
0xb3: {  	[dreg:$0x4] =	wrdreg s4  }
0xb4: {  	[dreg:$0x5] =	wrdreg s5  }
0xb5: {  	[dreg:$0x6] =	wrdreg $0x9  }
0xb6: {  	_ =	task.clear_ibuf [dreg:s10], $0x7FFFF;
	_ =	strace $0x90000046  }
0xb7: {  	s29 =	simm.s32 $0x9;
	_ =	strace $0x80000048  }
0xb8: {  	_ =	swait.ge [sflag:s29], $0x1  }
0xb9: {  	[sflag:s29] =	ssyncadd.s32 $0xFFFFFFFF  }
0xba: {  	_ =	strace $0x90000048  }
0xbb: {  	_ =	sfence  }
0xbc: {  	s30 =	sld [smem:$0x0];
	_ =	sdelay $0x2  }
0xbd: {  	s31 =	sshll.u32 s1, $0xD;
	s1 =	sshrl.u32 s1, $0x2  }
0xbe: {  	s3 =	sand.u32 $0x4000, s31;
	s1 =	sadd.s32 s1, s30  }
0xbf: {  	s0 =	sor.u32 s3, s0;
	s1 =	sshll.u32 s1, $0x11  }
0xc0: {  	s0 =	sor.u32 s1, s0  }
0xc1: {  	s0 =	sadd.s32 $0x8F2B, s0  }
0xc2: {  	[sflag:s0] =	ssyncadd.remote.s32 $0x1  }
0xc3: {  	_ =	sfence.sel $0xFFFF  }
0xc4: {  	[dreg:$0x0] =	wrdreg $0xFFFFFFFF;
	(pc) =	sbr.abs _section_cstart, $3  }
0xc5: {  	[dreg:$0x1] =	wrdreg $0xFFFFFFFF  }
0xc6: {  	_ =	task.clear_ibuf [dreg:s10], $0x2FFFF;
	_ =	strace $0x9FFFFFFF  }
0xc7: {  	(tm) =	ssettm $0x7FFFFFFF  }
tec
execute0_lowered:
.L_overlay_start_1:
0x0: {  	(tag) =	ssettag $0x1  }
0x1: {  	s0 =	rddreg [dreg:$0x0]  }
0x2: {  	s1 =	rddreg [dreg:$0x1]  }
0x3: {  	s2 =	rddreg [dreg:$0x2]  }
0x4: {  	s4 =	rddreg [dreg:$0x3];
	s3 =	simm.s32 $0x0  }
0x5: {  	s5 =	srdreg.scid;
	s7 =	stileid.u32;
	s16 =	simm.s32 $0x1  }
0x6: {  	s17 =	simm.s32 $0x40;
	s9 =	simm.s32 $0x4200;
	s19 =	simm.s32 $0x2  }
0x7: {  	s29 =	simm.s32 $0xE200;
	s31 =	simm.s32 $0x10200;
	s15 =	simm.s32 $0x4  }
0x8: {  	s28 =	simm.s32 $0x8;
	s30 =	simm.s32 $0x9;
	s5 =	sand.u32 $0x1, s5  }
0x9: {  	s7 =	sshll.u32 s7, $0x8;
	s6 =	ssub.s32 $0x2, s5;
	s5 =	sshll.u32 s5, $0x7  }
0xa: {  	s18 =	simm.s32 $0xB;
	[smem:$0x7FF] =	sst s3;
	s5 =	sor.u32 s5, s7  }
0xb: {  	_ =	strace $0x80000047;
	s8 =	sshrl.u32 s6, $0x1;
	s21 =	sshrl.u32 s5, $0x1  }
0xc: {  	s20 =	ssub.s32 s6, s8;
	s5 =	sshll.u32 s5, $0x4;
	s0 =	sadd.s32 s0, s21  }
0xd: {  	s22 =	sadd.s32 s2, s5;
	s6 =	sadd.s32 s4, s5;
	s14 =	smax.u32 s20, $0x1  }
0xe: {  	s2 =	simm.s32 $0x12200;
	s21 =	simm.s32 $0x5;
	[dreg:$0x5] =	wrdreg s0  }
0xf: {  	s4 =	simm.s32 $0x3;
	[dreg:$0x6] =	wrdreg s22;
	s23 =	sadd.s32 $0x400, s6  }
0x10: {  	s5 =	simm.s32 $0x0;
	s24 =	sadd.s32 $0x10000, s6;
	[dreg:$0x7] =	wrdreg s23  }
0x11: {  	s25 =	sadd.s32 $0x10400, s6;
	s26 =	sadd.s32 $0x20000, s6;
	[dreg:$0x8] =	wrdreg s24  }
0x12: {  	s11 =	sadd.s32 $0x20400, s6;
	s12 =	sadd.s32 $0x30000, s6;
	[dreg:$0x9] =	wrdreg s25  }
0x13: {  	s13 =	sadd.s32 $0x30400, s6;
	s0 =	simm.s32 $0xA;
	[dreg:$0xa] =	wrdreg s26  }
0x14: {  	s26 =	simm.s32 $0xC200;
	s23 =	simm.s32 $0x6;
	s25 =	simm.s32 $0x7  }
.LBB2_1:
0x15: {  	s7 =	rddreg [dreg:$0x5]  }
0x16: {  	[tilespmem:s3], [sflag:$0x1] =	stream.linear.gather [hbm4b:s7+s3], $0x200, $0x38;
	[tilespmem:$0x14200] =	vst v63  }
0x17: {  	s24 =	rddreg [dreg:$0x6];
	s8 =	simm.s32 $0x200  }
0x18: {  	[tilespmem:s8], [sflag:$0x2] =	stream.linear.gather [hbm4b:s24+s3], $0x4000, $0x38;
	[tilespmem:$0x14200] =	vst v63  }
0x19: {  	_ =	swait.ge [sflag:s16], $0x200  }
0x1a: {  	[sflag:s16] =	ssyncset.done $0x0  }
0x1b: {  	[sflag:s16] =	ssyncadd.s32 $0xFFFFFE00  }
0x1c: {  	[tilespmem:s9], [sflag:$0x4] =	stream.indirect.gather [hbm4b:s1+s17], $0x80, s3, s17, $0xb8;
	[tilespmem:$0x14200] =	vst v63  }
0x1d: {  	_ =	swait.ge [sflag:s19], $0x4000  }
0x1e: {  	[sflag:s19] =	ssyncset.done $0x0  }
0x1f: {  	s10 =	simm.s32 $0x22F0;
	[sflag:s19] =	ssyncadd.s32 $0xFFFFC000  }
0x20: {  	v0 =	vld [tilespmem:s10+$0xFFFFFF90]  }
0x21: {  	v1 =	vld [tilespmem:s10+$0xFFFFFF10];
	_ =	sdelay $0x2  }
0x22: {  	s20 =	simm.s32 $0x62F0  }
0x23: {  	[tilespmem:s20+$0xFFFFFF90] =	vst v0  }
0x24: {  	[tilespmem:s20+$0xFFFFFF10] =	vst v1;
	v0 =	vld [tilespmem:s10+$0xFFFFFFA0]  }
0x25: {  	v1 =	vld [tilespmem:s10+$0xFFFFFF20];
	_ =	sdelay $0x3  }
0x26: {  	[tilespmem:s20+$0xFFFFFFA0] =	vst v0  }
0x27: {  	[tilespmem:s20+$0xFFFFFF20] =	vst v1;
	v0 =	vld [tilespmem:s10+$0xFFFFFFB0]  }
0x28: {  	v1 =	vld [tilespmem:s10+$0xFFFFFF30];
	_ =	sdelay $0x1  }
0x29: {  	s22 =	simm.s32 $0x23F0  }
0x2a: {  	v2 =	vld [tilespmem:s22+$0xFFFFFF90]  }
0x2b: {  	v3 =	vld [tilespmem:s22+$0xFFFFFF10];
	[tilespmem:s20+$0xFFFFFFB0] =	vst v0  }
0x2c: {  	[tilespmem:s20+$0xFFFFFF30] =	vst v1;
	v0 =	vld [tilespmem:s10+$0xFFFFFFC0]  }
0x2d: {  	v1 =	vld [tilespmem:s10+$0xFFFFFF40]  }
0x2e: {  	s7 =	simm.s32 $0x63F0  }
0x2f: {  	[tilespmem:s7+$0xFFFFFF90] =	vst v2  }
0x30: {  	[tilespmem:s7+$0xFFFFFF10] =	vst v3;
	v2 =	vld [tilespmem:s22+$0xFFFFFFA0]  }
0x31: {  	v3 =	vld [tilespmem:s22+$0xFFFFFF20];
	[tilespmem:s20+$0xFFFFFFC0] =	vst v0  }
0x32: {  	[tilespmem:s20+$0xFFFFFF40] =	vst v1;
	v0 =	vld [tilespmem:s10+$0xFFFFFFD0]  }
0x33: {  	v1 =	vld [tilespmem:s10+$0xFFFFFF50];
	_ =	sdelay $0x1  }
0x34: {  	[tilespmem:s7+$0xFFFFFFA0] =	vst v2  }
0x35: {  	[tilespmem:s7+$0xFFFFFF20] =	vst v3;
	v2 =	vld [tilespmem:s22+$0xFFFFFFB0]  }
0x36: {  	v3 =	vld [tilespmem:s22+$0xFFFFFF30];
	[tilespmem:s20+$0xFFFFFFD0] =	vst v0  }
0x37: {  	[tilespmem:s20+$0xFFFFFF50] =	vst v1;
	v0 =	vld [tilespmem:s10+$0xFFFFFFE0]  }
0x38: {  	s8 =	simm.s32 $0x24F0;
	v1 =	vld [tilespmem:s10+$0xFFFFFF60]  }
0x39: {  	v4 =	vld [tilespmem:s8+$0xFFFFFF90]  }
0x3a: {  	v5 =	vld [tilespmem:s8+$0xFFFFFF10];
	[tilespmem:s7+$0xFFFFFFB0] =	vst v2  }
0x3b: {  	[tilespmem:s7+$0xFFFFFF30] =	vst v3;
	v2 =	vld [tilespmem:s22+$0xFFFFFFC0]  }
0x3c: {  	v3 =	vld [tilespmem:s22+$0xFFFFFF40];
	[tilespmem:s20+$0xFFFFFFE0] =	vst v0  }
0x3d: {  	s9 =	simm.s32 $0x64F0;
	[tilespmem:s20+$0xFFFFFF60] =	vst v1;
	v0 =	vld [tilespmem:s10+$0xFFFFFFF0]  }
0x3e: {  	[tilespmem:s9+$0xFFFFFF90] =	vst v4;
	v1 =	vld [tilespmem:s10+$0xFFFFFF70]  }
0x3f: {  	[tilespmem:s9+$0xFFFFFF10] =	vst v5;
	v4 =	vld [tilespmem:s8+$0xFFFFFFA0]  }
0x40: {  	v5 =	vld [tilespmem:s8+$0xFFFFFF20];
	[tilespmem:s7+$0xFFFFFFC0] =	vst v2  }
0x41: {  	[tilespmem:s7+$0xFFFFFF40] =	vst v3;
	v2 =	vld [tilespmem:s22+$0xFFFFFFD0]  }
0x42: {  	v6 =	vld [tilespmem:s22+$0xFFFFFF50];
	[tilespmem:s20+$0xFFFFFFF0] =	vst v0  }
0x43: {  	[tilespmem:s20+$0xFFFFFF70] =	vst v1;
	v7 =	vld [tilespmem:s10+$0x0]  }
0x44: {  	[tilespmem:s9+$0xFFFFFFA0] =	vst v4;
	v0 =	vld [tilespmem:s10+$0xFFFFFF80]  }
0x45: {  	[tilespmem:s9+$0xFFFFFF20] =	vst v5;
	v3 =	vld [tilespmem:s8+$0xFFFFFFB0]  }
0x46: {  	v4 =	vld [tilespmem:s8+$0xFFFFFF30];
	[tilespmem:s7+$0xFFFFFFD0] =	vst v2  }
0x47: {  	[tilespmem:s7+$0xFFFFFF50] =	vst v6;
	v1 =	vld [tilespmem:s22+$0xFFFFFFE0]  }
0x48: {  	s24 =	simm.s32 $0x4;
	v2 =	vld [tilespmem:s22+$0xFFFFFF60];
	s10 =	simm.s32 $0x25F0;
	[tilespmem:s20+$0x0] =	vst v7  }
.LBB2_2:
0x49: {  	v5 =	vld [tilespmem:s10+$0xFFFFFF90];
	s24 =	sadd.s32 $0x2, s24;
	[tilespmem:s20+$0xFFFFFF80] =	vst v0;
	s20 =	smov.u32 s7;
	s7 =	smov.u32 s9  }
0x4a: {  	v0 =	vld [tilespmem:s10+$0xFFFFFF10];
	p0 =	slt.u32 s24, $0x3E;
	[tilespmem:s9+$0xFFFFFFB0] =	vst v3  }
0x4b: {  	[tilespmem:s9+$0xFFFFFF30] =	vst v4;
	v3 =	vld [tilespmem:s8+$0xFFFFFFC0]  }
0x4c: {  	v4 =	vld [tilespmem:s8+$0xFFFFFF40];
	[tilespmem:s20+$0xFFFFFFE0] =	vst v1  }
0x4d: {  	s9 =	sadd.s32 $0x100, s9;
	[tilespmem:s20+$0xFFFFFF60] =	vst v2;
	v1 =	vld [tilespmem:s22+$0xFFFFFFF0]  }
0x4e: {  	[tilespmem:s9+$0xFFFFFF90] =	vst v5;
	v2 =	vld [tilespmem:s22+$0xFFFFFF70]  }
0x4f: {  	[tilespmem:s9+$0xFFFFFF10] =	vst v0;
	v0 =	vld [tilespmem:s10+$0xFFFFFFA0]  }
0x50: {  	v5 =	vld [tilespmem:s10+$0xFFFFFF20];
	[tilespmem:s7+$0xFFFFFFC0] =	vst v3  }
0x51: {  	[tilespmem:s7+$0xFFFFFF40] =	vst v4;
	v6 =	vld [tilespmem:s8+$0xFFFFFFD0]  }
0x52: {  	v7 =	vld [tilespmem:s8+$0xFFFFFF50];
	[tilespmem:s20+$0xFFFFFFF0] =	vst v1  }
0x53: {  	[tilespmem:s20+$0xFFFFFF70] =	vst v2;
	v8 =	vld [tilespmem:s22+$0x0]  }
.Ltmp0:
0x54: {  	[tilespmem:s9+$0xFFFFFFA0] =	vst v0;
	v0 =	vld [tilespmem:s22+$0xFFFFFF80];
	s22 =	smov.u32 s8;
	s8 =	smov.u32 s10;
	(pc) =	sbr.rel @p0 .LBB2_2-.Ltmp0, $4  }
0x55: {  	[tilespmem:s9+$0xFFFFFF20] =	vst v5;
	v3 =	vld [tilespmem:s10+$0xFFFFFFB0]  }
0x56: {  	v4 =	vld [tilespmem:s10+$0xFFFFFF30];
	[tilespmem:s7+$0xFFFFFFD0] =	vst v6  }
0x57: {  	[tilespmem:s7+$0xFFFFFF50] =	vst v7;
	v1 =	vld [tilespmem:s22+$0xFFFFFFE0]  }
0x58: {  	s10 =	sadd.s32 $0x100, s10;
	v2 =	vld [tilespmem:s22+$0xFFFFFF60];
	[tilespmem:s20+$0x0] =	vst v8  }
0x59: {  	_ = 	snop  }
0x5a: {  	[tilespmem:s9+$0xFFFFFFB0] =	vst v3  }
0x5b: {  	[tilespmem:s9+$0xFFFFFF30] =	vst v4;
	v3 =	vld [tilespmem:s8+$0xFFFFFFC0]  }
0x5c: {  	v4 =	vld [tilespmem:s8+$0xFFFFFF40];
	_ =	sdelay $0x3  }
0x5d: {  	[tilespmem:s9+$0xFFFFFFC0] =	vst v3  }
0x5e: {  	[tilespmem:s9+$0xFFFFFF40] =	vst v4;
	v3 =	vld [tilespmem:s8+$0xFFFFFFD0]  }
0x5f: {  	v4 =	vld [tilespmem:s8+$0xFFFFFF50];
	_ =	sdelay $0x3  }
0x60: {  	[tilespmem:s9+$0xFFFFFFD0] =	vst v3  }
0x61: {  	[tilespmem:s9+$0xFFFFFF50] =	vst v4;
	v3 =	vld [tilespmem:s8+$0xFFFFFFE0]  }
0x62: {  	v4 =	vld [tilespmem:s8+$0xFFFFFF60];
	_ =	sdelay $0x1  }
0x63: {  	[tilespmem:s7+$0xFFFFFFE0] =	vst v1  }
0x64: {  	[tilespmem:s7+$0xFFFFFF60] =	vst v2;
	v1 =	vld [tilespmem:s22+$0xFFFFFFF0]  }
0x65: {  	v2 =	vld [tilespmem:s22+$0xFFFFFF70];
	[tilespmem:s9+$0xFFFFFFE0] =	vst v3  }
0x66: {  	[tilespmem:s9+$0xFFFFFF60] =	vst v4;
	v3 =	vld [tilespmem:s8+$0xFFFFFFF0]  }
0x67: {  	v4 =	vld [tilespmem:s8+$0xFFFFFF70];
	_ =	sdelay $0x1  }
0x68: {  	[tilespmem:s7+$0xFFFFFFF0] =	vst v1  }
0x69: {  	[tilespmem:s7+$0xFFFFFF70] =	vst v2;
	v1 =	vld [tilespmem:s22+$0x0]  }
0x6a: {  	v2 =	vld [tilespmem:s22+$0xFFFFFF80];
	[tilespmem:s9+$0xFFFFFFF0] =	vst v3  }
0x6b: {  	[tilespmem:s9+$0xFFFFFF70] =	vst v4;
	v3 =	vld [tilespmem:s8+$0x0]  }
0x6c: {  	v4 =	vld [tilespmem:s8+$0xFFFFFF80]  }
0x6d: {  	[tilespmem:s20+$0xFFFFFF80] =	vst v0  }
0x6e: {  	[tilespmem:s7+$0x0] =	vst v1  }
0x6f: {  	[tilespmem:s7+$0xFFFFFF80] =	vst v2  }
0x70: {  	[tilespmem:s9+$0x0] =	vst v3  }
0x71: {  	s20 =	simm.s32 $0x6200;
	s7 =	simm.s32 $0x0;
	[tilespmem:s9+$0xFFFFFF80] =	vst v4  }
0x72: {  	[tilespmem:s20], [sflag:$0x5] =	stream.indirect.gather.add.f32 [hbm:s1], $0x80, s17, s17, $0xb8;
	[tilespmem:$0x14200] =	vst v63  }
0x73: {  	v0 =	vld [tilespmem:s7+$0x200]  }
0x74: {  	v1 =	vld [tilespmem:s7+$0x210]  }
0x75: {  	v2 =	vld [tilespmem:s7+$0x220]  }
0x76: {  	v5 =	vld [tilespmem:s7+$0x2F0]  }
0x77: {  	v3 =	vld [tilespmem:s7+$0x230]  }
0x78: {  	v4 =	vld [tilespmem:s7+$0x240];
	[tilespmem:s7+$0x8200] =	vst v0  }
0x79: {  	v6 =	vld [tilespmem:s7+$0x250];
	[tilespmem:s7+$0x8210] =	vst v1  }
0x7a: {  	v7 =	vld [tilespmem:s7+$0x260];
	[tilespmem:s7+$0x8220] =	vst v2  }
0x7b: {  	v8 =	vld [tilespmem:s7+$0x280];
	[tilespmem:s7+$0x82F0] =	vst v5  }
0x7c: {  	v5 =	vld [tilespmem:s7+$0x270];
	[tilespmem:s7+$0x8230] =	vst v3  }
0x7d: {  	v2 =	vld [tilespmem:s7+$0x290];
	[tilespmem:s7+$0x8240] =	vst v4  }
0x7e: {  	v0 =	vld [tilespmem:s7+$0x2A0];
	[tilespmem:s7+$0x8250] =	vst v6  }
0x7f: {  	v1 =	vld [tilespmem:s7+$0x2B0];
	[tilespmem:s7+$0x8260] =	vst v7  }
0x80: {  	v3 =	vld [tilespmem:s7+$0x2C0];
	[tilespmem:s7+$0x8280] =	vst v8  }
0x81: {  	s8 =	simm.s32 $0x0;
	s9 =	simm.s32 $0x400;
	v4 =	vld [tilespmem:s7+$0x2D0];
	[tilespmem:s7+$0x8270] =	vst v5  }
.LBB2_4:
0x82: {  	s10 =	sshra.s32 s9, $0x2;
	s8 =	sadd.s32 $0x2, s8;
	[tilespmem:s7+$0x8290] =	vst v2;
	v2 =	vld [tilespmem:s7+$0x2E0]  }
0x83: {  	v5 =	vld [tilespmem:s10+$0x2F0];
	p0 =	slt.u32 s8, $0x3E;
	[tilespmem:s7+$0x82A0] =	vst v0  }
0x84: {  	v0 =	vld [tilespmem:s10+$0x200];
	[tilespmem:s7+$0x82B0] =	vst v1  }
0x85: {  	v1 =	vld [tilespmem:s10+$0x210];
	[tilespmem:s7+$0x82C0] =	vst v3  }
0x86: {  	v3 =	vld [tilespmem:s10+$0x220];
	[tilespmem:s7+$0x82D0] =	vst v4  }
0x87: {  	v4 =	vld [tilespmem:s10+$0x230];
	[tilespmem:s7+$0x82E0] =	vst v2;
	s7 =	smov.u32 s10  }
0x88: {  	v2 =	vld [tilespmem:s7+$0x240];
	[tilespmem:s7+$0x82F0] =	vst v5  }
0x89: {  	[tilespmem:s7+$0x8200] =	vst v0;
	v0 =	vld [tilespmem:s7+$0x250]  }
0x8a: {  	[tilespmem:s7+$0x8210] =	vst v1;
	v1 =	vld [tilespmem:s7+$0x260]  }
0x8b: {  	[tilespmem:s7+$0x8220] =	vst v3;
	v3 =	vld [tilespmem:s7+$0x270]  }
0x8c: {  	[tilespmem:s7+$0x8230] =	vst v4;
	v4 =	vld [tilespmem:s7+$0x280]  }
.Ltmp1:
0x8d: {  	[tilespmem:s7+$0x8240] =	vst v2;
	v2 =	vld [tilespmem:s7+$0x290];
	(pc) =	sbr.rel @p0 .LBB2_4-.Ltmp1, $4  }
0x8e: {  	[tilespmem:s7+$0x8250] =	vst v0;
	v0 =	vld [tilespmem:s7+$0x2A0]  }
0x8f: {  	[tilespmem:s7+$0x8260] =	vst v1;
	v1 =	vld [tilespmem:s7+$0x2B0]  }
0x90: {  	[tilespmem:s7+$0x8270] =	vst v3;
	v3 =	vld [tilespmem:s7+$0x2C0]  }
0x91: {  	s9 =	sadd.s32 $0x400, s9;
	[tilespmem:s7+$0x8280] =	vst v4;
	v4 =	vld [tilespmem:s7+$0x2D0]  }
0x92: {  	[tilespmem:s7+$0x8290] =	vst v2;
	v2 =	vld [tilespmem:s7+$0x2E0]  }
0x93: {  	[tilespmem:s7+$0x82A0] =	vst v0  }
0x94: {  	[tilespmem:s7+$0x82B0] =	vst v1  }
0x95: {  	[tilespmem:s7+$0x82C0] =	vst v3  }
0x96: {  	[tilespmem:s7+$0x82D0] =	vst v4  }
0x97: {  	s24 =	simm.s32 $0x80;
	s22 =	simm.s32 $0x8200;
	[tilespmem:s7+$0x82E0] =	vst v2;
	s7 =	simm.s32 $0x0  }
0x98: {  	[tilespmem:s22], [sflag:$0x6] =	stream.indirect.gather.add.f32 [hbm:s1], $0x80, s24, s17, $0xb8;
	[tilespmem:$0x14200] =	vst v63  }
0x99: {  	v0 =	vld [tilespmem:s7+$0x2200]  }
0x9a: {  	v1 =	vld [tilespmem:s7+$0x2210]  }
0x9b: {  	v2 =	vld [tilespmem:s7+$0x2220]  }
0x9c: {  	v5 =	vld [tilespmem:s7+$0x22F0]  }
0x9d: {  	v3 =	vld [tilespmem:s7+$0x2230]  }
0x9e: {  	v4 =	vld [tilespmem:s7+$0x2240];
	[tilespmem:s7+$0xA200] =	vst v0  }
0x9f: {  	v6 =	vld [tilespmem:s7+$0x2250];
	[tilespmem:s7+$0xA210] =	vst v1  }
0xa0: {  	v7 =	vld [tilespmem:s7+$0x2260];
	[tilespmem:s7+$0xA220] =	vst v2  }
0xa1: {  	v8 =	vld [tilespmem:s7+$0x2280];
	[tilespmem:s7+$0xA2F0] =	vst v5  }
0xa2: {  	v5 =	vld [tilespmem:s7+$0x2270];
	[tilespmem:s7+$0xA230] =	vst v3  }
0xa3: {  	v2 =	vld [tilespmem:s7+$0x2290];
	[tilespmem:s7+$0xA240] =	vst v4  }
0xa4: {  	v0 =	vld [tilespmem:s7+$0x22A0];
	[tilespmem:s7+$0xA250] =	vst v6  }
0xa5: {  	v1 =	vld [tilespmem:s7+$0x22B0];
	[tilespmem:s7+$0xA260] =	vst v7  }
0xa6: {  	v3 =	vld [tilespmem:s7+$0x22C0];
	[tilespmem:s7+$0xA280] =	vst v8  }
0xa7: {  	s8 =	simm.s32 $0x0;
	s9 =	simm.s32 $0x400;
	s24 =	simm.s32 $0xA200;
	v4 =	vld [tilespmem:s7+$0x22D0];
	[tilespmem:s7+$0xA270] =	vst v5  }
.LBB2_6:
0xa8: {  	s10 =	sshra.s32 s9, $0x2;
	s8 =	sadd.s32 $0x2, s8;
	[tilespmem:s7+$0xA290] =	vst v2;
	v2 =	vld [tilespmem:s7+$0x22E0]  }
0xa9: {  	v5 =	vld [tilespmem:s10+$0x22F0];
	p0 =	slt.u32 s8, $0x3E;
	[tilespmem:s7+$0xA2A0] =	vst v0  }
0xaa: {  	v0 =	vld [tilespmem:s10+$0x2200];
	[tilespmem:s7+$0xA2B0] =	vst v1  }
0xab: {  	v1 =	vld [tilespmem:s10+$0x2210];
	[tilespmem:s7+$0xA2C0] =	vst v3  }
0xac: {  	v3 =	vld [tilespmem:s10+$0x2220];
	[tilespmem:s7+$0xA2D0] =	vst v4  }
0xad: {  	v4 =	vld [tilespmem:s10+$0x2230];
	[tilespmem:s7+$0xA2E0] =	vst v2;
	s7 =	smov.u32 s10  }
0xae: {  	v2 =	vld [tilespmem:s7+$0x2240];
	[tilespmem:s7+$0xA2F0] =	vst v5  }
0xaf: {  	[tilespmem:s7+$0xA200] =	vst v0;
	v0 =	vld [tilespmem:s7+$0x2250]  }
0xb0: {  	[tilespmem:s7+$0xA210] =	vst v1;
	v1 =	vld [tilespmem:s7+$0x2260]  }
0xb1: {  	[tilespmem:s7+$0xA220] =	vst v3;
	v3 =	vld [tilespmem:s7+$0x2270]  }
0xb2: {  	[tilespmem:s7+$0xA230] =	vst v4;
	v4 =	vld [tilespmem:s7+$0x2280]  }
.Ltmp2:
0xb3: {  	[tilespmem:s7+$0xA240] =	vst v2;
	v2 =	vld [tilespmem:s7+$0x2290];
	(pc) =	sbr.rel @p0 .LBB2_6-.Ltmp2, $4  }
0xb4: {  	[tilespmem:s7+$0xA250] =	vst v0;
	v0 =	vld [tilespmem:s7+$0x22A0]  }
0xb5: {  	[tilespmem:s7+$0xA260] =	vst v1;
	v1 =	vld [tilespmem:s7+$0x22B0]  }
0xb6: {  	[tilespmem:s7+$0xA270] =	vst v3;
	v3 =	vld [tilespmem:s7+$0x22C0]  }
0xb7: {  	s9 =	sadd.s32 $0x400, s9;
	[tilespmem:s7+$0xA280] =	vst v4;
	v4 =	vld [tilespmem:s7+$0x22D0]  }
0xb8: {  	[tilespmem:s7+$0xA290] =	vst v2;
	v2 =	vld [tilespmem:s7+$0x22E0]  }
0xb9: {  	[tilespmem:s7+$0xA2A0] =	vst v0  }
0xba: {  	[tilespmem:s7+$0xA2B0] =	vst v1  }
0xbb: {  	[tilespmem:s7+$0xA2C0] =	vst v3  }
0xbc: {  	[tilespmem:s7+$0xA2D0] =	vst v4  }
0xbd: {  	s10 =	simm.s32 $0xC0;
	[tilespmem:s7+$0xA2E0] =	vst v2;
	s7 =	simm.s32 $0x0  }
0xbe: {  	[tilespmem:s24], [sflag:$0x7] =	stream.indirect.gather.add.f32 [hbm:s1], $0x80, s10, s17, $0xb8;
	[tilespmem:$0x14200] =	vst v63  }
0xbf: {  	v0 =	vld [tilespmem:s7+$0x200]  }
0xc0: {  	v1 =	vld [tilespmem:s7+$0x210]  }
0xc1: {  	v2 =	vld [tilespmem:s7+$0x220]  }
0xc2: {  	v5 =	vld [tilespmem:s7+$0x2F0]  }
0xc3: {  	v3 =	vld [tilespmem:s7+$0x230]  }
0xc4: {  	v4 =	vld [tilespmem:s7+$0x240];
	[tilespmem:s7+$0xC200] =	vst v0  }
0xc5: {  	v6 =	vld [tilespmem:s7+$0x250];
	[tilespmem:s7+$0xC210] =	vst v1  }
0xc6: {  	v7 =	vld [tilespmem:s7+$0x260];
	[tilespmem:s7+$0xC220] =	vst v2  }
0xc7: {  	v8 =	vld [tilespmem:s7+$0x280];
	[tilespmem:s7+$0xC2F0] =	vst v5  }
0xc8: {  	v5 =	vld [tilespmem:s7+$0x270];
	[tilespmem:s7+$0xC230] =	vst v3  }
0xc9: {  	v2 =	vld [tilespmem:s7+$0x290];
	[tilespmem:s7+$0xC240] =	vst v4  }
0xca: {  	v0 =	vld [tilespmem:s7+$0x2A0];
	[tilespmem:s7+$0xC250] =	vst v6  }
0xcb: {  	v1 =	vld [tilespmem:s7+$0x2B0];
	[tilespmem:s7+$0xC260] =	vst v7  }
0xcc: {  	v3 =	vld [tilespmem:s7+$0x2C0];
	[tilespmem:s7+$0xC280] =	vst v8  }
0xcd: {  	s8 =	simm.s32 $0x0;
	s9 =	simm.s32 $0x400;
	v4 =	vld [tilespmem:s7+$0x2D0];
	[tilespmem:s7+$0xC270] =	vst v5  }
.LBB2_8:
0xce: {  	s10 =	sshra.s32 s9, $0x2;
	s8 =	sadd.s32 $0x2, s8;
	[tilespmem:s7+$0xC290] =	vst v2;
	v2 =	vld [tilespmem:s7+$0x2E0]  }
0xcf: {  	v5 =	vld [tilespmem:s10+$0x2F0];
	p0 =	slt.u32 s8, $0x3E;
	[tilespmem:s7+$0xC2A0] =	vst v0  }
0xd0: {  	v0 =	vld [tilespmem:s10+$0x200];
	[tilespmem:s7+$0xC2B0] =	vst v1  }
0xd1: {  	v1 =	vld [tilespmem:s10+$0x210];
	[tilespmem:s7+$0xC2C0] =	vst v3  }
0xd2: {  	v3 =	vld [tilespmem:s10+$0x220];
	[tilespmem:s7+$0xC2D0] =	vst v4  }
0xd3: {  	v4 =	vld [tilespmem:s10+$0x230];
	[tilespmem:s7+$0xC2E0] =	vst v2;
	s7 =	smov.u32 s10  }
0xd4: {  	v2 =	vld [tilespmem:s7+$0x240];
	[tilespmem:s7+$0xC2F0] =	vst v5  }
0xd5: {  	[tilespmem:s7+$0xC200] =	vst v0;
	v0 =	vld [tilespmem:s7+$0x250]  }
0xd6: {  	[tilespmem:s7+$0xC210] =	vst v1;
	v1 =	vld [tilespmem:s7+$0x260]  }
0xd7: {  	[tilespmem:s7+$0xC220] =	vst v3;
	v3 =	vld [tilespmem:s7+$0x270]  }
0xd8: {  	[tilespmem:s7+$0xC230] =	vst v4;
	v4 =	vld [tilespmem:s7+$0x280]  }
.Ltmp3:
0xd9: {  	[tilespmem:s7+$0xC240] =	vst v2;
	v2 =	vld [tilespmem:s7+$0x290];
	(pc) =	sbr.rel @p0 .LBB2_8-.Ltmp3, $4  }
0xda: {  	[tilespmem:s7+$0xC250] =	vst v0;
	v0 =	vld [tilespmem:s7+$0x2A0]  }
0xdb: {  	[tilespmem:s7+$0xC260] =	vst v1;
	v1 =	vld [tilespmem:s7+$0x2B0]  }
0xdc: {  	[tilespmem:s7+$0xC270] =	vst v3;
	v3 =	vld [tilespmem:s7+$0x2C0]  }
0xdd: {  	s9 =	sadd.s32 $0x400, s9;
	[tilespmem:s7+$0xC280] =	vst v4;
	v4 =	vld [tilespmem:s7+$0x2D0]  }
0xde: {  	[tilespmem:s7+$0xC290] =	vst v2;
	v2 =	vld [tilespmem:s7+$0x2E0]  }
0xdf: {  	[tilespmem:s7+$0xC2A0] =	vst v0  }
0xe0: {  	[tilespmem:s7+$0xC2B0] =	vst v1  }
0xe1: {  	[tilespmem:s7+$0xC2C0] =	vst v3  }
0xe2: {  	[tilespmem:s7+$0xC2D0] =	vst v4  }
0xe3: {  	s10 =	simm.s32 $0x100;
	[tilespmem:s7+$0xC2E0] =	vst v2;
	s7 =	simm.s32 $0x0  }
0xe4: {  	[tilespmem:s26], [sflag:$0x8] =	stream.indirect.gather.add.f32 [hbm:s1], $0x80, s10, s17, $0xb8;
	[tilespmem:$0x14200] =	vst v63  }
0xe5: {  	v0 =	vld [tilespmem:s7+$0x2200]  }
0xe6: {  	v1 =	vld [tilespmem:s7+$0x2210]  }
0xe7: {  	v2 =	vld [tilespmem:s7+$0x2220]  }
0xe8: {  	v5 =	vld [tilespmem:s7+$0x22F0]  }
0xe9: {  	v3 =	vld [tilespmem:s7+$0x2230]  }
0xea: {  	v4 =	vld [tilespmem:s7+$0x2240];
	[tilespmem:s7+$0xE200] =	vst v0  }
0xeb: {  	v6 =	vld [tilespmem:s7+$0x2250];
	[tilespmem:s7+$0xE210] =	vst v1  }
0xec: {  	v7 =	vld [tilespmem:s7+$0x2260];
	[tilespmem:s7+$0xE220] =	vst v2  }
0xed: {  	v8 =	vld [tilespmem:s7+$0x2280];
	[tilespmem:s7+$0xE2F0] =	vst v5  }
0xee: {  	v5 =	vld [tilespmem:s7+$0x2270];
	[tilespmem:s7+$0xE230] =	vst v3  }
0xef: {  	v2 =	vld [tilespmem:s7+$0x2290];
	[tilespmem:s7+$0xE240] =	vst v4  }
0xf0: {  	v0 =	vld [tilespmem:s7+$0x22A0];
	[tilespmem:s7+$0xE250] =	vst v6  }
0xf1: {  	v1 =	vld [tilespmem:s7+$0x22B0];
	[tilespmem:s7+$0xE260] =	vst v7  }
0xf2: {  	v3 =	vld [tilespmem:s7+$0x22C0];
	[tilespmem:s7+$0xE280] =	vst v8  }
0xf3: {  	s8 =	simm.s32 $0x0;
	s9 =	simm.s32 $0x400;
	v4 =	vld [tilespmem:s7+$0x22D0];
	[tilespmem:s7+$0xE270] =	vst v5  }
.LBB2_10:
0xf4: {  	s10 =	sshra.s32 s9, $0x2;
	s8 =	sadd.s32 $0x2, s8;
	[tilespmem:s7+$0xE290] =	vst v2;
	v2 =	vld [tilespmem:s7+$0x22E0]  }
0xf5: {  	v5 =	vld [tilespmem:s10+$0x22F0];
	p0 =	slt.u32 s8, $0x3E;
	[tilespmem:s7+$0xE2A0] =	vst v0  }
0xf6: {  	v0 =	vld [tilespmem:s10+$0x2200];
	[tilespmem:s7+$0xE2B0] =	vst v1  }
0xf7: {  	v1 =	vld [tilespmem:s10+$0x2210];
	[tilespmem:s7+$0xE2C0] =	vst v3  }
0xf8: {  	v3 =	vld [tilespmem:s10+$0x2220];
	[tilespmem:s7+$0xE2D0] =	vst v4  }
0xf9: {  	v4 =	vld [tilespmem:s10+$0x2230];
	[tilespmem:s7+$0xE2E0] =	vst v2;
	s7 =	smov.u32 s10  }
0xfa: {  	v2 =	vld [tilespmem:s7+$0x2240];
	[tilespmem:s7+$0xE2F0] =	vst v5  }
0xfb: {  	[tilespmem:s7+$0xE200] =	vst v0;
	v0 =	vld [tilespmem:s7+$0x2250]  }
0xfc: {  	[tilespmem:s7+$0xE210] =	vst v1;
	v1 =	vld [tilespmem:s7+$0x2260]  }
0xfd: {  	[tilespmem:s7+$0xE220] =	vst v3;
	v3 =	vld [tilespmem:s7+$0x2270]  }
0xfe: {  	[tilespmem:s7+$0xE230] =	vst v4;
	v4 =	vld [tilespmem:s7+$0x2280]  }
.Ltmp4:
0xff: {  	[tilespmem:s7+$0xE240] =	vst v2;
	v2 =	vld [tilespmem:s7+$0x2290];
	(pc) =	sbr.rel @p0 .LBB2_10-.Ltmp4, $4  }
0x100: {  	[tilespmem:s7+$0xE250] =	vst v0;
	v0 =	vld [tilespmem:s7+$0x22A0]  }
0x101: {  	[tilespmem:s7+$0xE260] =	vst v1;
	v1 =	vld [tilespmem:s7+$0x22B0]  }
0x102: {  	[tilespmem:s7+$0xE270] =	vst v3;
	v3 =	vld [tilespmem:s7+$0x22C0]  }
0x103: {  	s9 =	sadd.s32 $0x400, s9;
	[tilespmem:s7+$0xE280] =	vst v4;
	v4 =	vld [tilespmem:s7+$0x22D0]  }
0x104: {  	[tilespmem:s7+$0xE290] =	vst v2;
	v2 =	vld [tilespmem:s7+$0x22E0]  }
0x105: {  	[tilespmem:s7+$0xE2A0] =	vst v0  }
0x106: {  	[tilespmem:s7+$0xE2B0] =	vst v1  }
0x107: {  	[tilespmem:s7+$0xE2C0] =	vst v3  }
0x108: {  	[tilespmem:s7+$0xE2D0] =	vst v4  }
0x109: {  	s10 =	simm.s32 $0x140;
	[tilespmem:s7+$0xE2E0] =	vst v2;
	s7 =	simm.s32 $0x0  }
0x10a: {  	[tilespmem:s29], [sflag:$0x9] =	stream.indirect.gather.add.f32 [hbm:s1], $0x80, s10, s17, $0xb8;
	[tilespmem:$0x14200] =	vst v63  }
0x10b: {  	v0 =	vld [tilespmem:s7+$0x200]  }
0x10c: {  	v1 =	vld [tilespmem:s7+$0x210]  }
0x10d: {  	v2 =	vld [tilespmem:s7+$0x220]  }
0x10e: {  	v5 =	vld [tilespmem:s7+$0x2F0]  }
0x10f: {  	v3 =	vld [tilespmem:s7+$0x230]  }
0x110: {  	v4 =	vld [tilespmem:s7+$0x240];
	[tilespmem:s7+$0x10200] =	vst v0  }
0x111: {  	v6 =	vld [tilespmem:s7+$0x250];
	[tilespmem:s7+$0x10210] =	vst v1  }
0x112: {  	v7 =	vld [tilespmem:s7+$0x260];
	[tilespmem:s7+$0x10220] =	vst v2  }
0x113: {  	v8 =	vld [tilespmem:s7+$0x280];
	[tilespmem:s7+$0x102F0] =	vst v5  }
0x114: {  	v5 =	vld [tilespmem:s7+$0x270];
	[tilespmem:s7+$0x10230] =	vst v3  }
0x115: {  	v2 =	vld [tilespmem:s7+$0x290];
	[tilespmem:s7+$0x10240] =	vst v4  }
0x116: {  	v0 =	vld [tilespmem:s7+$0x2A0];
	[tilespmem:s7+$0x10250] =	vst v6  }
0x117: {  	v1 =	vld [tilespmem:s7+$0x2B0];
	[tilespmem:s7+$0x10260] =	vst v7  }
0x118: {  	v3 =	vld [tilespmem:s7+$0x2C0];
	[tilespmem:s7+$0x10280] =	vst v8  }
0x119: {  	s8 =	simm.s32 $0x0;
	s9 =	simm.s32 $0x400;
	v4 =	vld [tilespmem:s7+$0x2D0];
	[tilespmem:s7+$0x10270] =	vst v5  }
.LBB2_12:
0x11a: {  	s10 =	sshra.s32 s9, $0x2;
	s8 =	sadd.s32 $0x2, s8;
	[tilespmem:s7+$0x10290] =	vst v2;
	v2 =	vld [tilespmem:s7+$0x2E0]  }
0x11b: {  	v5 =	vld [tilespmem:s10+$0x2F0];
	p0 =	slt.u32 s8, $0x3E;
	[tilespmem:s7+$0x102A0] =	vst v0  }
0x11c: {  	v0 =	vld [tilespmem:s10+$0x200];
	[tilespmem:s7+$0x102B0] =	vst v1  }
0x11d: {  	v1 =	vld [tilespmem:s10+$0x210];
	[tilespmem:s7+$0x102C0] =	vst v3  }
0x11e: {  	v3 =	vld [tilespmem:s10+$0x220];
	[tilespmem:s7+$0x102D0] =	vst v4  }
0x11f: {  	v4 =	vld [tilespmem:s10+$0x230];
	[tilespmem:s7+$0x102E0] =	vst v2;
	s7 =	smov.u32 s10  }
0x120: {  	v2 =	vld [tilespmem:s7+$0x240];
	[tilespmem:s7+$0x102F0] =	vst v5  }
0x121: {  	[tilespmem:s7+$0x10200] =	vst v0;
	v0 =	vld [tilespmem:s7+$0x250]  }
0x122: {  	[tilespmem:s7+$0x10210] =	vst v1;
	v1 =	vld [tilespmem:s7+$0x260]  }
0x123: {  	[tilespmem:s7+$0x10220] =	vst v3;
	v3 =	vld [tilespmem:s7+$0x270]  }
0x124: {  	[tilespmem:s7+$0x10230] =	vst v4;
	v4 =	vld [tilespmem:s7+$0x280]  }
.Ltmp5:
0x125: {  	[tilespmem:s7+$0x10240] =	vst v2;
	v2 =	vld [tilespmem:s7+$0x290];
	(pc) =	sbr.rel @p0 .LBB2_12-.Ltmp5, $4  }
0x126: {  	[tilespmem:s7+$0x10250] =	vst v0;
	v0 =	vld [tilespmem:s7+$0x2A0]  }
0x127: {  	[tilespmem:s7+$0x10260] =	vst v1;
	v1 =	vld [tilespmem:s7+$0x2B0]  }
0x128: {  	[tilespmem:s7+$0x10270] =	vst v3;
	v3 =	vld [tilespmem:s7+$0x2C0]  }
0x129: {  	s9 =	sadd.s32 $0x400, s9;
	[tilespmem:s7+$0x10280] =	vst v4;
	v4 =	vld [tilespmem:s7+$0x2D0]  }
0x12a: {  	[tilespmem:s7+$0x10290] =	vst v2;
	v2 =	vld [tilespmem:s7+$0x2E0]  }
0x12b: {  	[tilespmem:s7+$0x102A0] =	vst v0  }
0x12c: {  	[tilespmem:s7+$0x102B0] =	vst v1  }
0x12d: {  	[tilespmem:s7+$0x102C0] =	vst v3  }
0x12e: {  	[tilespmem:s7+$0x102D0] =	vst v4  }
0x12f: {  	s10 =	simm.s32 $0x180;
	[tilespmem:s7+$0x102E0] =	vst v2;
	s7 =	simm.s32 $0x0  }
0x130: {  	[tilespmem:s31], [sflag:$0xA] =	stream.indirect.gather.add.f32 [hbm:s1], $0x80, s10, s17, $0xb8;
	[tilespmem:$0x14200] =	vst v63  }
0x131: {  	v0 =	vld [tilespmem:s7+$0x2200]  }
0x132: {  	v1 =	vld [tilespmem:s7+$0x2210]  }
0x133: {  	v2 =	vld [tilespmem:s7+$0x2220]  }
0x134: {  	v5 =	vld [tilespmem:s7+$0x22F0]  }
0x135: {  	v3 =	vld [tilespmem:s7+$0x2230]  }
0x136: {  	v4 =	vld [tilespmem:s7+$0x2240];
	[tilespmem:s7+$0x12200] =	vst v0  }
0x137: {  	v6 =	vld [tilespmem:s7+$0x2250];
	[tilespmem:s7+$0x12210] =	vst v1  }
0x138: {  	v7 =	vld [tilespmem:s7+$0x2260];
	[tilespmem:s7+$0x12220] =	vst v2  }
0x139: {  	v8 =	vld [tilespmem:s7+$0x2280];
	[tilespmem:s7+$0x122F0] =	vst v5  }
0x13a: {  	v5 =	vld [tilespmem:s7+$0x2270];
	[tilespmem:s7+$0x12230] =	vst v3  }
0x13b: {  	v2 =	vld [tilespmem:s7+$0x2290];
	[tilespmem:s7+$0x12240] =	vst v4  }
0x13c: {  	v0 =	vld [tilespmem:s7+$0x22A0];
	[tilespmem:s7+$0x12250] =	vst v6  }
0x13d: {  	v1 =	vld [tilespmem:s7+$0x22B0];
	[tilespmem:s7+$0x12260] =	vst v7  }
0x13e: {  	v3 =	vld [tilespmem:s7+$0x22C0];
	[tilespmem:s7+$0x12280] =	vst v8  }
0x13f: {  	s8 =	simm.s32 $0x0;
	s9 =	simm.s32 $0x400;
	v4 =	vld [tilespmem:s7+$0x22D0];
	[tilespmem:s7+$0x12270] =	vst v5  }
.LBB2_14:
0x140: {  	s10 =	sshra.s32 s9, $0x2;
	s8 =	sadd.s32 $0x2, s8;
	[tilespmem:s7+$0x12290] =	vst v2;
	v2 =	vld [tilespmem:s7+$0x22E0]  }
0x141: {  	v5 =	vld [tilespmem:s10+$0x22F0];
	p0 =	slt.u32 s8, $0x3E;
	[tilespmem:s7+$0x122A0] =	vst v0  }
0x142: {  	v0 =	vld [tilespmem:s10+$0x2200];
	[tilespmem:s7+$0x122B0] =	vst v1  }
0x143: {  	v1 =	vld [tilespmem:s10+$0x2210];
	[tilespmem:s7+$0x122C0] =	vst v3  }
0x144: {  	v3 =	vld [tilespmem:s10+$0x2220];
	[tilespmem:s7+$0x122D0] =	vst v4  }
0x145: {  	v4 =	vld [tilespmem:s10+$0x2230];
	[tilespmem:s7+$0x122E0] =	vst v2;
	s7 =	smov.u32 s10  }
0x146: {  	v2 =	vld [tilespmem:s7+$0x2240];
	[tilespmem:s7+$0x122F0] =	vst v5  }
0x147: {  	[tilespmem:s7+$0x12200] =	vst v0;
	v0 =	vld [tilespmem:s7+$0x2250]  }
0x148: {  	[tilespmem:s7+$0x12210] =	vst v1;
	v1 =	vld [tilespmem:s7+$0x2260]  }
0x149: {  	[tilespmem:s7+$0x12220] =	vst v3;
	v3 =	vld [tilespmem:s7+$0x2270]  }
0x14a: {  	[tilespmem:s7+$0x12230] =	vst v4;
	v4 =	vld [tilespmem:s7+$0x2280]  }
.Ltmp6:
0x14b: {  	[tilespmem:s7+$0x12240] =	vst v2;
	v2 =	vld [tilespmem:s7+$0x2290];
	(pc) =	sbr.rel @p0 .LBB2_14-.Ltmp6, $4  }
0x14c: {  	[tilespmem:s7+$0x12250] =	vst v0;
	v0 =	vld [tilespmem:s7+$0x22A0]  }
0x14d: {  	[tilespmem:s7+$0x12260] =	vst v1;
	v1 =	vld [tilespmem:s7+$0x22B0]  }
0x14e: {  	[tilespmem:s7+$0x12270] =	vst v3;
	v3 =	vld [tilespmem:s7+$0x22C0]  }
0x14f: {  	s9 =	sadd.s32 $0x400, s9;
	[tilespmem:s7+$0x12280] =	vst v4;
	v4 =	vld [tilespmem:s7+$0x22D0]  }
0x150: {  	[tilespmem:s7+$0x12290] =	vst v2;
	v2 =	vld [tilespmem:s7+$0x22E0]  }
0x151: {  	[tilespmem:s7+$0x122A0] =	vst v0  }
0x152: {  	[tilespmem:s7+$0x122B0] =	vst v1  }
0x153: {  	[tilespmem:s7+$0x122C0] =	vst v3  }
0x154: {  	[tilespmem:s7+$0x122D0] =	vst v4  }
0x155: {  	s10 =	simm.s32 $0x1C0;
	[tilespmem:s7+$0x122E0] =	vst v2  }
0x156: {  	[tilespmem:s2], [sflag:$0xB] =	stream.indirect.gather.add.f32 [hbm:s1], $0x80, s10, s17, $0xb8;
	[tilespmem:$0x14200] =	vst v63  }
0x157: {  	_ =	swait.ge [sflag:s15], $0x2000  }
0x158: {  	[sflag:s15] =	ssyncset.done $0x0  }
0x159: {  	s7 =	simm.s32 $0x0;
	[sflag:s15] =	ssyncadd.s32 $0xFFFFE000  }
0x15a: {  	v0 =	vld [tilespmem:s7+$0x2F0]  }
0x15b: {  	v1 =	vld [tilespmem:s7+$0x200]  }
0x15c: {  	v2 =	vld [tilespmem:s7+$0x210]  }
0x15d: {  	v3 =	vld [tilespmem:s7+$0x220]  }
0x15e: {  	v63 =	vld [tilespmem:s7+$0x230]  }
0x15f: {  	v5 =	vld [tilespmem:s7+$0x240]  }
0x160: {  	v6 =	vld [tilespmem:s7+$0x250]  }
0x161: {  	v7 =	vld [tilespmem:s7+$0x260]  }
0x162: {  	v8 =	vld [tilespmem:s7+$0x270]  }
0x163: {  	v9 =	vld [tilespmem:s7+$0x280]  }
0x164: {  	v10 =	vld [tilespmem:s7+$0x290]  }
0x165: {  	v11 =	vld [tilespmem:s7+$0x2A0]  }
0x166: {  	v12 =	vld [tilespmem:s7+$0x2B0]  }
0x167: {  	v13 =	vld [tilespmem:s7+$0x2C0]  }
0x168: {  	v14 =	vld [tilespmem:s7+$0x2D0]  }
0x169: {  	[tilespmem:s7+$0x42F0] =	vst.add.f32.msk $0xffff, v0  }
0x16a: {  	v0 =	vld [tilespmem:s7+$0x2E0]  }
0x16b: {  	[tilespmem:s7+$0x4200] =	vst.add.f32.msk $0xffff, v1  }
0x16c: {  	[tilespmem:s7+$0x4210] =	vst.add.f32.msk $0xffff, v2  }
0x16d: {  	[tilespmem:s7+$0x4220] =	vst.add.f32.msk $0xffff, v3  }
0x16e: {  	[tilespmem:s7+$0x4230] =	vst.add.f32.msk $0xffff, v63  }
0x16f: {  	[tilespmem:s7+$0x4240] =	vst.add.f32.msk $0xffff, v5  }
0x170: {  	[tilespmem:s7+$0x4250] =	vst.add.f32.msk $0xffff, v6  }
0x171: {  	[tilespmem:s7+$0x4260] =	vst.add.f32.msk $0xffff, v7  }
0x172: {  	[tilespmem:s7+$0x4270] =	vst.add.f32.msk $0xffff, v8  }
0x173: {  	[tilespmem:s7+$0x4280] =	vst.add.f32.msk $0xffff, v9  }
0x174: {  	[tilespmem:s7+$0x4290] =	vst.add.f32.msk $0xffff, v10  }
0x175: {  	[tilespmem:s7+$0x42A0] =	vst.add.f32.msk $0xffff, v11  }
0x176: {  	[tilespmem:s7+$0x42B0] =	vst.add.f32.msk $0xffff, v12  }
0x177: {  	[tilespmem:s7+$0x42C0] =	vst.add.f32.msk $0xffff, v13  }
0x178: {  	s8 =	simm.s32 $0x0;
	s9 =	simm.s32 $0x400;
	[tilespmem:s7+$0x42D0] =	vst.add.f32.msk $0xffff, v14  }
.LBB2_16:
0x179: {  	s8 =	sadd.s32 $0x2, s8;
	[tilespmem:s7+$0x42E0] =	vst.add.f32.msk $0xffff, v0;
	s7 =	sshra.s32 s9, $0x2  }
0x17a: {  	v0 =	vld [tilespmem:s7+$0x2F0];
	p0 =	slt.u32 s8, $0x3E  }
0x17b: {  	v1 =	vld [tilespmem:s7+$0x200]  }
0x17c: {  	v2 =	vld [tilespmem:s7+$0x210]  }
0x17d: {  	v3 =	vld [tilespmem:s7+$0x220]  }
0x17e: {  	v4 =	vld [tilespmem:s7+$0x230]  }
0x17f: {  	[tilespmem:s7+$0x42F0] =	vst.add.f32.msk $0xffff, v0  }
0x180: {  	v5 =	vld [tilespmem:s7+$0x240]  }
0x181: {  	v6 =	vld [tilespmem:s7+$0x250]  }
0x182: {  	v7 =	vld [tilespmem:s7+$0x260]  }
0x183: {  	v8 =	vld [tilespmem:s7+$0x270]  }
0x184: {  	v9 =	vld [tilespmem:s7+$0x280]  }
0x185: {  	v10 =	vld [tilespmem:s7+$0x290]  }
0x186: {  	v11 =	vld [tilespmem:s7+$0x2A0]  }
0x187: {  	v12 =	vld [tilespmem:s7+$0x2B0]  }
0x188: {  	v13 =	vld [tilespmem:s7+$0x2C0]  }
0x189: {  	v14 =	vld [tilespmem:s7+$0x2D0]  }
0x18a: {  	v0 =	vld [tilespmem:s7+$0x2E0]  }
0x18b: {  	[tilespmem:s7+$0x4200] =	vst.add.f32.msk $0xffff, v1  }
0x18c: {  	[tilespmem:s7+$0x4210] =	vst.add.f32.msk $0xffff, v2  }
0x18d: {  	[tilespmem:s7+$0x4220] =	vst.add.f32.msk $0xffff, v3  }
0x18e: {  	[tilespmem:s7+$0x4230] =	vst.add.f32.msk $0xffff, v4  }
0x18f: {  	[tilespmem:s7+$0x4240] =	vst.add.f32.msk $0xffff, v5  }
0x190: {  	[tilespmem:s7+$0x4250] =	vst.add.f32.msk $0xffff, v6  }
0x191: {  	[tilespmem:s7+$0x4260] =	vst.add.f32.msk $0xffff, v7  }
0x192: {  	[tilespmem:s7+$0x4270] =	vst.add.f32.msk $0xffff, v8  }
0x193: {  	[tilespmem:s7+$0x4280] =	vst.add.f32.msk $0xffff, v9  }
.Ltmp7:
0x194: {  	[tilespmem:s7+$0x4290] =	vst.add.f32.msk $0xffff, v10;
	(pc) =	sbr.rel @p0 .LBB2_16-.Ltmp7, $4  }
0x195: {  	[tilespmem:s7+$0x42A0] =	vst.add.f32.msk $0xffff, v11  }
0x196: {  	[tilespmem:s7+$0x42B0] =	vst.add.f32.msk $0xffff, v12  }
0x197: {  	[tilespmem:s7+$0x42C0] =	vst.add.f32.msk $0xffff, v13  }
0x198: {  	s9 =	sadd.s32 $0x400, s9;
	[tilespmem:s7+$0x42D0] =	vst.add.f32.msk $0xffff, v14  }
0x199: {  	[tilespmem:s7+$0x42E0] =	vst.add.f32.msk $0xffff, v0;
	s9 =	simm.s32 $0x4200  }
0x19a: {  	[hbm4b:s6+s3] =	stream.linear.scatter [tilespmem:s9], [sflag:$0x3], $0x2000, $0x38;
	[tilespmem:$0x14200] =	vst v63  }
0x19b: {  	_ =	swait.ge [sflag:s21], $0x2000  }
0x19c: {  	[sflag:s21] =	ssyncset.done $0x0  }
0x19d: {  	s10 =	rddreg [dreg:$0x7];
	[sflag:s21] =	ssyncadd.s32 $0xFFFFE000  }
0x19e: {  	[hbm4b:s10+s3] =	stream.linear.scatter [tilespmem:s20], [sflag:$0x3], $0x2000, $0x38;
	[tilespmem:$0x14200] =	vst v63  }
0x19f: {  	_ =	swait.ge [sflag:s23], $0x2000  }
0x1a0: {  	[sflag:s23] =	ssyncset.done $0x0  }
0x1a1: {  	s20 =	rddreg [dreg:$0x8];
	[sflag:s23] =	ssyncadd.s32 $0xFFFFE000  }
0x1a2: {  	[hbm4b:s20+s3] =	stream.linear.scatter [tilespmem:s22], [sflag:$0x3], $0x2000, $0x38;
	[tilespmem:$0x14200] =	vst v63  }
0x1a3: {  	_ =	swait.ge [sflag:s25], $0x2000  }
0x1a4: {  	[sflag:s25] =	ssyncset.done $0x0  }
0x1a5: {  	s22 =	rddreg [dreg:$0x9];
	[sflag:s25] =	ssyncadd.s32 $0xFFFFE000  }
0x1a6: {  	[hbm4b:s22+s3] =	stream.linear.scatter [tilespmem:s24], [sflag:$0x3], $0x2000, $0x38;
	[tilespmem:$0x14200] =	vst v63  }
0x1a7: {  	_ =	swait.ge [sflag:s28], $0x2000  }
0x1a8: {  	[sflag:s28] =	ssyncset.done $0x0  }
0x1a9: {  	s24 =	rddreg [dreg:$0xa];
	[sflag:s28] =	ssyncadd.s32 $0xFFFFE000  }
0x1aa: {  	[hbm4b:s24+s3] =	stream.linear.scatter [tilespmem:s26], [sflag:$0x3], $0x2000, $0x38;
	[tilespmem:$0x14200] =	vst v63  }
0x1ab: {  	_ =	swait.ge [sflag:s30], $0x2000  }
0x1ac: {  	[sflag:s30] =	ssyncset.done $0x0  }
0x1ad: {  	[sflag:s30] =	ssyncadd.s32 $0xFFFFE000  }
0x1ae: {  	[hbm4b:s11+s3] =	stream.linear.scatter [tilespmem:s29], [sflag:$0x3], $0x2000, $0x38;
	[tilespmem:$0x14200] =	vst v63  }
0x1af: {  	_ =	swait.ge [sflag:s0], $0x2000  }
0x1b0: {  	[sflag:s0] =	ssyncset.done $0x0  }
0x1b1: {  	[sflag:s0] =	ssyncadd.s32 $0xFFFFE000  }
0x1b2: {  	[hbm4b:s12+s3] =	stream.linear.scatter [tilespmem:s31], [sflag:$0x3], $0x2000, $0x38;
	[tilespmem:$0x14200] =	vst v63  }
0x1b3: {  	_ =	swait.ge [sflag:s18], $0x2000  }
0x1b4: {  	[sflag:s18] =	ssyncset.done $0x0  }
0x1b5: {  	[sflag:s18] =	ssyncadd.s32 $0xFFFFE000  }
0x1b6: {  	[hbm4b:s13+s3] =	stream.linear.scatter [tilespmem:s2], [sflag:$0x3], $0x2000, $0x38;
	[tilespmem:$0x14200] =	vst v63  }
0x1b7: {  	_ =	swait.ge [sflag:s4], $0x2000  }
0x1b8: {  	[sflag:s4] =	ssyncset.done $0x0  }
0x1b9: {  	[sflag:s4] =	ssyncadd.s32 $0xFFFFE000  }
0x1ba: {  	_ =	swait.ge [sflag:s4], $0x2000  }
0x1bb: {  	[sflag:s4] =	ssyncset.done $0x0  }
0x1bc: {  	[sflag:s4] =	ssyncadd.s32 $0xFFFFE000  }
0x1bd: {  	_ =	swait.ge [sflag:s4], $0x2000  }
0x1be: {  	[sflag:s4] =	ssyncset.done $0x0  }
0x1bf: {  	[sflag:s4] =	ssyncadd.s32 $0xFFFFE000  }
0x1c0: {  	_ =	swait.ge [sflag:s4], $0x2000  }
0x1c1: {  	[sflag:s4] =	ssyncset.done $0x0  }
0x1c2: {  	[sflag:s4] =	ssyncadd.s32 $0xFFFFE000  }
0x1c3: {  	_ =	swait.ge [sflag:s4], $0x2000  }
0x1c4: {  	[sflag:s4] =	ssyncset.done $0x0  }
0x1c5: {  	[sflag:s4] =	ssyncadd.s32 $0xFFFFE000  }
0x1c6: {  	_ =	swait.ge [sflag:s4], $0x2000  }
0x1c7: {  	[sflag:s4] =	ssyncset.done $0x0  }
0x1c8: {  	s5 =	sadd.s32 $0x1, s5;
	[sflag:s4] =	ssyncadd.s32 $0xFFFFE000  }
0x1c9: {  	p0 =	sne.s32 s5, s14;
	_ =	swait.ge [sflag:s4], $0x2000  }
.Ltmp8:
0x1ca: {  	[sflag:s4] =	ssyncset.done $0x0;
	(pc) =	sbr.rel @p0 .LBB2_1-.Ltmp8, $4  }
0x1cb: {  	[sflag:s4] =	ssyncadd.s32 $0xFFFFE000  }
0x1cc: {  	_ =	swait.ge [sflag:s4], $0x2000  }
0x1cd: {  	[sflag:s4] =	ssyncset.done $0x0  }
0x1ce: {  	[sflag:s4] =	ssyncadd.s32 $0xFFFFE000  }
0x1cf: {  	_ =	sfence.sel $0x180000  }
0x1d0: {  	[bflag:$0x0] =	sbarrier.arrive $0xFFFF  }
0x1d1: {  	_ =	strace $0x90000047  }
0x1d2: {  	s0 =	stileid.u32;
	[bflag:$0x2] =	sbarrier.arrive $0xFFFF  }
0x1d3: {  	p0 =	sne.s32 s0, $0x0;
	s0 =	rddreg [dreg:$0x4]  }
0x1d4: {  	s0 =	sadd.s32 @!p0 $0x100000, s0  }
0x1d5: {  	[sflag:s0] =	ssyncadd.tile.s32 @!p0 $0x1;
	_ =	shalt  }
.Lfunc_end2:
_tile_overlayer_lowered:
.L_overlay_start_2:
0x1d6: {  	(tag) =	ssettag $0x2  }
0x1d7: {  	s0 =	rddreg [dreg:$0x0];
	s2 =	stileid.u32  }
0x1d8: {  	s1 =	rddreg [dreg:$0x1];
	p0 =	sne.s32 s2, $0x0  }
0x1d9: {  	s3 =	rddreg [dreg:$0x2];
	[bflag:$0x3] =	sbarrier.arrive $0xFFFF;
	s2 =	simm.s32 @!p0 $0x1C0C  }
0x1da: {  	[timem:s3], [sflag:s2] =	dma.local @!p0 [hbm:s0], s1  }
0x1db: {  	s0 =	simm.s32 @!p0 $0xC  }
0x1dc: {  	_ =	swait.ge @!p0 [sflag:s0], s1  }
0x1dd: {  	s1 =	ssub.s32 @!p0 $0x0, s1;
	[sflag:s0] =	ssyncset.done @!p0 $0x0  }
0x1de: {  	[sflag:s0] =	ssyncadd.s32 @!p0 s1  }
0x1df: {  	[bflag:$0x3] =	sbarrier.arrive $0xFFFF  }
0x1e0: {  	_ =	shalt  }

</sc_bundles>
